<compile_context>
chip_gen: v7x
topology: tpu7x:2x2x1
jax: 0.10.2.dev20260603
libtpu: 0.0.44.dev20260713+nightly
codegen_flags: <defaults>
</compile_context>

<pallas_src>
import functools
import math

import jax
import jax.numpy as jnp
from jax import lax
from jax.experimental import pallas as pl
from jax.experimental.pallas import tpu as pltpu
from jax.experimental.pallas import tpu_sc as plsc

_LANES = 16
_SPAD = 56


def _make_sc_kernel(B0, S, V, D, num_cores, num_subcores):
    nw = num_cores * num_subcores
    b_per_w = B0 // nw
    n_pairs = b_per_w // 2
    scale = math.sqrt(D)
    mesh = plsc.VectorSubcoreMesh(core_axis_name="c", subcore_axis_name="s")

    @functools.partial(
        pl.kernel,
        mesh=mesh,
        out_type=jax.ShapeDtypeStruct((B0, S, D), jnp.float32),
        scratch_types=[
            pltpu.VMEM((b_per_w, _SPAD), jnp.int32),
            pltpu.VMEM((_SPAD, D), jnp.float32),
            pltpu.VMEM((_SPAD, D), jnp.float32),
            pltpu.VMEM((S, D), jnp.float32),
            pltpu.VMEM((S, D), jnp.float32),
            pltpu.SemaphoreType.DMA,
            pltpu.SemaphoreType.DMA,
            pltpu.SemaphoreType.DMA,
            pltpu.SemaphoreType.DMA,
        ],
    )
    def k(idx_hbm, table_hbm, out_hbm, idx_v, gb0, gb1, ob0, ob1,
          g0, g1, o0, o1):
        wid = lax.axis_index("s") * num_cores + lax.axis_index("c")
        pltpu.sync_copy(idx_hbm.at[wid], idx_v)
        b_base = wid * b_per_w

        def gather_start(i, gb, sem):
            pltpu.async_copy(table_hbm.at[idx_v.at[i]], gb, sem)

        def gather_wait(gb, sem):
            pltpu.make_async_copy(table_hbm.at[idx_v.at[0]], gb, sem).wait()

        def out_start(i, ob, sem):
            pltpu.async_copy(ob, out_hbm.at[b_base + i], sem)

        def out_wait(ob, sem):
            pltpu.make_async_copy(ob, out_hbm.at[b_base], sem).wait()

        def scale_copy(gb, ob):
            def row(r, c):
                for j in range(D // _LANES):
                    sl = pl.ds(j * _LANES, _LANES)
                    ob[r, sl] = gb[r, sl] * scale
                return c

            lax.fori_loop(0, S, row, 0)

        gather_start(0, gb0, g0)
        gather_start(1, gb1, g1)

        def pair_body(g, carry):
            i0 = 2 * g

            def half(i, gb, gsem, ob, osem):
                gather_wait(gb, gsem)

                @pl.when(g > 0)
                def _drain_out():
                    out_wait(ob, osem)

                scale_copy(gb, ob)

                @pl.when(g < n_pairs - 1)
                def _next_gather():
                    gather_start(i + 2, gb, gsem)

                out_start(i, ob, osem)

            half(i0, gb0, g0, ob0, o0)
            half(i0 + 1, gb1, g1, ob1, o1)
            return carry

        lax.fori_loop(0, n_pairs, pair_body, 0)
        out_wait(ob0, o0)
        out_wait(ob1, o1)

    return k


def kernel(x, table):
    B0, S = x.shape
    V, D = table.shape
    info = plsc.get_sparse_core_info()
    nw = info.num_cores * info.num_subcores
    idx = x.reshape(nw, B0 // nw, S).astype(jnp.int32)
    b_per_w = B0 // nw
    pad = (
        jnp.arange(nw * b_per_w * (_SPAD - S), dtype=jnp.int32) * 97 % V
    ).reshape(nw, b_per_w, _SPAD - S)
    idx = jnp.concatenate([idx, pad], axis=-1)
    k = _make_sc_kernel(B0, S, V, D, info.num_cores, info.num_subcores)
    return k(idx, table)

# --- scband reference (transcript-rebuilt; emitter-appended) ---
"""Pipeline reference for scband-input-embeddings-16475494547470 (READ-ONLY COPY).

The authoritative reference and input builder live on the scoring server;
editing this copy changes nothing except your own understanding.
"""

import jax, jax.numpy as jnp
import numpy as np
import math

D_MODEL = 512
VOCAB_SIZE = 100000

def setup_inputs(seed: int = 0) -> dict:
    key = jax.random.key(seed)
    k_idx, k_tab = jax.random.split(key)
    x = jax.random.randint(k_idx, (4096, 50), 0, VOCAB_SIZE, dtype=jnp.int64)
    table = jax.random.normal(k_tab, (VOCAB_SIZE, D_MODEL), dtype=jnp.float32)
    return {"x": x, "table": table}

def reference(x, table):
    emb = jnp.take(table, x, axis=0)
    return emb * math.sqrt(D_MODEL)

if __name__ == "__main__":
    import jax
    _d = setup_inputs()
    print(jax.jit(kernel)(*tuple(_d.values())))

</pallas_src>

<mosaic_0001>
#map = affine_map<(d0, d1) -> (0, 0, 0)>
#map1 = affine_map<(d0, d1) -> (0, 0)>
module attributes {stable_mosaic.version = 14 : i64} {
  func.func @k(%arg0: i32, %arg1: i32, %arg2: memref<32x128x56xi32, #tpu.memory_space<hbm>>, %arg3: memref<100000x512xf32, #tpu.memory_space<hbm>>, %arg4: memref<4096x50x512xf32, #tpu.memory_space<hbm>>, %arg5: memref<128x56xi32, #tpu.memory_space<vmem>>, %arg6: memref<56x512xf32, #tpu.memory_space<vmem>>, %arg7: memref<56x512xf32, #tpu.memory_space<vmem>>, %arg8: memref<50x512xf32, #tpu.memory_space<vmem>>, %arg9: memref<50x512xf32, #tpu.memory_space<vmem>>, %arg10: memref<!tpu.dma_semaphore, #tpu.memory_space<semaphore_mem>>, %arg11: memref<!tpu.dma_semaphore, #tpu.memory_space<semaphore_mem>>, %arg12: memref<!tpu.dma_semaphore, #tpu.memory_space<semaphore_mem>>, %arg13: memref<!tpu.dma_semaphore, #tpu.memory_space<semaphore_mem>>) attributes {dimension_semantics = [#tpu.dimension_semantics<core_parallel>, #tpu.dimension_semantics<subcore_parallel>], iteration_bounds = array<i64: 2, 16>, scalar_prefetch = 0 : i64, scratch_operands = 9 : i64, tpu.core_type = #tpu.core_type<sc_vector_subcore>, window_params = [{transform_indices = #map}, {transform_indices = #map1}, {transform_indices = #map}]} {
    %mul3A = arith.constant 2 : i32
    %mul3A_0 = arith.muli %arg1, %mul3A : i32
    %add3A = arith.addi %mul3A_0, %arg0 : i32
    "tpu.region"() ({
      %run_scoped3A = tpu.sem_alloc : memref<!tpu.dma_semaphore, #tpu.memory_space<semaphore_mem>>
      %dma_start3A_36 = arith.constant 0 : i32
      %dma_start3A_37 = arith.constant 0 : i32
      %dma_start3A_38 = tpu.memref_slice %arg2[%add3A, %dma_start3A_36, %dma_start3A_37] : memref<32x128x56xi32, #tpu.memory_space<hbm>> -> memref<1x128x56xi32, #tpu.memory_space<hbm>>
      %dma_start3A_39 = tpu.memref_squeeze %dma_start3A_38 : memref<1x128x56xi32, #tpu.memory_space<hbm>> -> memref<128x56xi32, #tpu.memory_space<hbm>>
      %dma_start3A_40 = arith.constant 0 : i32
      %dma_start3A_41 = arith.constant 0 : i32
      %dma_start3A_42 = tpu.memref_slice %arg2[%add3A, %dma_start3A_40, %dma_start3A_41] : memref<32x128x56xi32, #tpu.memory_space<hbm>> -> memref<1x128x56xi32, #tpu.memory_space<hbm>>
      %dma_start3A_43 = tpu.memref_squeeze %dma_start3A_42 : memref<1x128x56xi32, #tpu.memory_space<hbm>> -> memref<128x56xi32, #tpu.memory_space<hbm>>
      tpu.enqueue_dma source(%dma_start3A_43 : memref<128x56xi32, #tpu.memory_space<hbm>>) target(%arg5 : memref<128x56xi32, #tpu.memory_space<vmem>>) target_semaphore(%run_scoped3A : memref<!tpu.dma_semaphore, #tpu.memory_space<semaphore_mem>>)
      %dma_wait3A_44 = arith.constant 0 : i32
      %dma_wait3A_45 = arith.constant 0 : i32
      %dma_wait3A_46 = tpu.memref_slice %arg2[%add3A, %dma_wait3A_44, %dma_wait3A_45] : memref<32x128x56xi32, #tpu.memory_space<hbm>> -> memref<1x128x56xi32, #tpu.memory_space<hbm>>
      %dma_wait3A_47 = tpu.memref_squeeze %dma_wait3A_46 : memref<1x128x56xi32, #tpu.memory_space<hbm>> -> memref<128x56xi32, #tpu.memory_space<hbm>>
      %dma_wait3A_48 = arith.constant 0 : i32
      %dma_wait3A_49 = arith.constant 0 : i32
      %dma_wait3A_50 = tpu.memref_slice %arg2[%add3A, %dma_wait3A_48, %dma_wait3A_49] : memref<32x128x56xi32, #tpu.memory_space<hbm>> -> memref<1x128x56xi32, #tpu.memory_space<hbm>>
      %dma_wait3A_51 = tpu.memref_squeeze %dma_wait3A_50 : memref<1x128x56xi32, #tpu.memory_space<hbm>> -> memref<128x56xi32, #tpu.memory_space<hbm>>
      tpu.wait_dma2 semaphore(%run_scoped3A : memref<!tpu.dma_semaphore, #tpu.memory_space<semaphore_mem>>) src(%dma_wait3A_51 : memref<128x56xi32, #tpu.memory_space<hbm>>) dst(%arg5 : memref<128x56xi32, #tpu.memory_space<vmem>>)
      tpu.yield
    }) : () -> ()
    %mul3A_1 = arith.constant 128 : i32
    %mul3A_2 = arith.muli %add3A, %mul3A_1 : i32
    %dma_start3A = arith.constant 0 : i32
    %dma_start3A_3 = arith.constant 0 : i32
    %dma_start3A_4 = tpu.memref_slice %arg5[%dma_start3A, %dma_start3A_3] : memref<128x56xi32, #tpu.memory_space<vmem>> -> memref<1x56xi32, #tpu.memory_space<vmem>>
    %dma_start3A_5 = tpu.memref_squeeze %dma_start3A_4 : memref<1x56xi32, #tpu.memory_space<vmem>> -> memref<56xi32, #tpu.memory_space<vmem>>
    %dma_start3A_6 = arith.constant 0 : i32
    %dma_start3A_7 = arith.constant 0 : i32
    %dma_start3A_8 = tpu.memref_slice %arg3[%dma_start3A_6, %dma_start3A_7] : memref<100000x512xf32, #tpu.memory_space<hbm>> -> memref<100000x512xf32, #tpu.memory_space<hbm>>
    tpu.enqueue_indirect_dma source(%dma_start3A_8 : memref<100000x512xf32, #tpu.memory_space<hbm>>) target(%arg6 : memref<56x512xf32, #tpu.memory_space<vmem>>) offsets(%dma_start3A_5 : memref<56xi32, #tpu.memory_space<vmem>>) semaphore(%arg10 : memref<!tpu.dma_semaphore, #tpu.memory_space<semaphore_mem>>)
    %dma_start3A_9 = arith.constant 1 : i32
    %dma_start3A_10 = arith.constant 0 : i32
    %dma_start3A_11 = tpu.memref_slice %arg5[%dma_start3A_9, %dma_start3A_10] : memref<128x56xi32, #tpu.memory_space<vmem>> -> memref<1x56xi32, #tpu.memory_space<vmem>>
    %dma_start3A_12 = tpu.memref_squeeze %dma_start3A_11 : memref<1x56xi32, #tpu.memory_space<vmem>> -> memref<56xi32, #tpu.memory_space<vmem>>
    %dma_start3A_13 = arith.constant 0 : i32
    %dma_start3A_14 = arith.constant 0 : i32
    %dma_start3A_15 = tpu.memref_slice %arg3[%dma_start3A_13, %dma_start3A_14] : memref<100000x512xf32, #tpu.memory_space<hbm>> -> memref<100000x512xf32, #tpu.memory_space<hbm>>
    tpu.enqueue_indirect_dma source(%dma_start3A_15 : memref<100000x512xf32, #tpu.memory_space<hbm>>) target(%arg7 : memref<56x512xf32, #tpu.memory_space<vmem>>) offsets(%dma_start3A_12 : memref<56xi32, #tpu.memory_space<vmem>>) semaphore(%arg11 : memref<!tpu.dma_semaphore, #tpu.memory_space<semaphore_mem>>)
    %scan3A = arith.constant 0 : i32
    %scan3A_16 = arith.constant 0 : i32
    %scan3A_17 = arith.constant 64 : i32
    %scan3A_18 = arith.addi %scan3A_16, %scan3A_17 : i32
    %scan3A_19 = arith.constant 1 : i32
    scf.for %scan3A_36 = %scan3A_16 to %scan3A_18 step %scan3A_19  : i32 {
      %mul3A_37 = arith.constant 2 : i32
      %mul3A_38 = arith.muli %mul3A_37, %scan3A_36 : i32
      %dma_wait3A_39 = arith.constant 0 : i32
      %dma_wait3A_40 = arith.constant 0 : i32
      %dma_wait3A_41 = tpu.memref_slice %arg5[%dma_wait3A_39, %dma_wait3A_40] : memref<128x56xi32, #tpu.memory_space<vmem>> -> memref<1x56xi32, #tpu.memory_space<vmem>>
      %dma_wait3A_42 = tpu.memref_squeeze %dma_wait3A_41 : memref<1x56xi32, #tpu.memory_space<vmem>> -> memref<56xi32, #tpu.memory_space<vmem>>
      %dma_wait3A_43 = arith.constant 0 : i32
      %dma_wait3A_44 = arith.constant 0 : i32
      %dma_wait3A_45 = tpu.memref_slice %arg3[%dma_wait3A_43, %dma_wait3A_44] : memref<100000x512xf32, #tpu.memory_space<hbm>> -> memref<100000x512xf32, #tpu.memory_space<hbm>>
      tpu.wait_indirect_dma semaphore(%arg10 : memref<!tpu.dma_semaphore, #tpu.memory_space<semaphore_mem>>) src(%dma_wait3A_45 : memref<100000x512xf32, #tpu.memory_space<hbm>>) dst(%arg6 : memref<56x512xf32, #tpu.memory_space<vmem>>)
      %gt3A = arith.constant 0 : i32
      %gt3A_46 = arith.cmpi sgt, %scan3A_36, %gt3A : i32
      %convert_element_type3A = arith.extui %gt3A_46 : i1 to i32
      %cond3A = arith.constant 0 : i32
      %cond3A_47 = arith.cmpi ne, %convert_element_type3A, %cond3A : i32
      scf.if %cond3A_47 {
        %dma_wait3A_101 = arith.constant 0 : i32
        %dma_wait3A_102 = arith.constant 0 : i32
        %dma_wait3A_103 = tpu.memref_slice %arg4[%mul3A_2, %dma_wait3A_101, %dma_wait3A_102] : memref<4096x50x512xf32, #tpu.memory_space<hbm>> -> memref<1x50x512xf32, #tpu.memory_space<hbm>>
        %dma_wait3A_104 = tpu.memref_squeeze %dma_wait3A_103 : memref<1x50x512xf32, #tpu.memory_space<hbm>> -> memref<50x512xf32, #tpu.memory_space<hbm>>
        %dma_wait3A_105 = arith.constant 0 : i32
        %dma_wait3A_106 = arith.constant 0 : i32
        %dma_wait3A_107 = tpu.memref_slice %arg4[%mul3A_2, %dma_wait3A_105, %dma_wait3A_106] : memref<4096x50x512xf32, #tpu.memory_space<hbm>> -> memref<1x50x512xf32, #tpu.memory_space<hbm>>
        %dma_wait3A_108 = tpu.memref_squeeze %dma_wait3A_107 : memref<1x50x512xf32, #tpu.memory_space<hbm>> -> memref<50x512xf32, #tpu.memory_space<hbm>>
        tpu.wait_dma2 semaphore(%arg12 : memref<!tpu.dma_semaphore, #tpu.memory_space<semaphore_mem>>) src(%arg8 : memref<50x512xf32, #tpu.memory_space<vmem>>) dst(%dma_wait3A_108 : memref<50x512xf32, #tpu.memory_space<hbm>>)
      } else {
      }
      %scan3A_48 = arith.constant 0 : i32
      %scan3A_49 = arith.constant 0 : i32
      %scan3A_50 = arith.constant 50 : i32
      %scan3A_51 = arith.addi %scan3A_49, %scan3A_50 : i32
      %scan3A_52 = arith.constant 1 : i32
      scf.for %scan3A_101 = %scan3A_49 to %scan3A_51 step %scan3A_52  : i32 {
        %get3A = arith.index_cast %scan3A_101 : i32 to index
        %get3A_102 = arith.constant 0 : index
        %get3A_103 = tpu.vector_load %arg6[%get3A, %get3A_102] {strides = array<i32>} : memref<56x512xf32, #tpu.memory_space<vmem>>, vector<1x16xf32>,
        %get3A_104 = vector.shape_cast %get3A_103 : vector<1x16xf32> to vector<16xf32>
        %mul3A_105 = arith.constant 22.6274166 : f32
        %mul3A_106 = vector.broadcast %mul3A_105 : f32 to vector<16xf32>
        %mul3A_107 = arith.mulf %get3A_104, %mul3A_106 : vector<16xf32>
        %swap3A = arith.index_cast %scan3A_101 : i32 to index
        %swap3A_108 = arith.constant 0 : index
        %swap3A_109 = tpu.vector_load %arg8[%swap3A, %swap3A_108] {strides = array<i32>} : memref<50x512xf32, #tpu.memory_space<vmem>>, vector<1x16xf32>,
        %swap3A_110 = vector.shape_cast %swap3A_109 : vector<1x16xf32> to vector<16xf32>
        %swap3A_111 = vector.shape_cast %mul3A_107 : vector<16xf32> to vector<1x16xf32>
        tpu.vector_store %arg8[%swap3A, %swap3A_108], %swap3A_111 {strides = array<i32>} : memref<50x512xf32, #tpu.memory_space<vmem>>, vector<1x16xf32>,
        %get3A_112 = arith.index_cast %scan3A_101 : i32 to index
        %get3A_113 = arith.constant 16 : index
        %get3A_114 = tpu.vector_load %arg6[%get3A_112, %get3A_113] {strides = array<i32>} : memref<56x512xf32, #tpu.memory_space<vmem>>, vector<1x16xf32>,
        %get3A_115 = vector.shape_cast %get3A_114 : vector<1x16xf32> to vector<16xf32>
        %mul3A_116 = arith.constant 22.6274166 : f32
        %mul3A_117 = vector.broadcast %mul3A_116 : f32 to vector<16xf32>
        %mul3A_118 = arith.mulf %get3A_115, %mul3A_117 : vector<16xf32>
        %swap3A_119 = arith.index_cast %scan3A_101 : i32 to index
        %swap3A_120 = arith.constant 16 : index
        %swap3A_121 = tpu.vector_load %arg8[%swap3A_119, %swap3A_120] {strides = array<i32>} : memref<50x512xf32, #tpu.memory_space<vmem>>, vector<1x16xf32>,
        %swap3A_122 = vector.shape_cast %swap3A_121 : vector<1x16xf32> to vector<16xf32>
        %swap3A_123 = vector.shape_cast %mul3A_118 : vector<16xf32> to vector<1x16xf32>
        tpu.vector_store %arg8[%swap3A_119, %swap3A_120], %swap3A_123 {strides = array<i32>} : memref<50x512xf32, #tpu.memory_space<vmem>>, vector<1x16xf32>,
        %get3A_124 = arith.index_cast %scan3A_101 : i32 to index
        %get3A_125 = arith.constant 32 : index
        %get3A_126 = tpu.vector_load %arg6[%get3A_124, %get3A_125] {strides = array<i32>} : memref<56x512xf32, #tpu.memory_space<vmem>>, vector<1x16xf32>,
        %get3A_127 = vector.shape_cast %get3A_126 : vector<1x16xf32> to vector<16xf32>
        %mul3A_128 = arith.constant 22.6274166 : f32
        %mul3A_129 = vector.broadcast %mul3A_128 : f32 to vector<16xf32>
        %mul3A_130 = arith.mulf %get3A_127, %mul3A_129 : vector<16xf32>
        %swap3A_131 = arith.index_cast %scan3A_101 : i32 to index
        %swap3A_132 = arith.constant 32 : index
        %swap3A_133 = tpu.vector_load %arg8[%swap3A_131, %swap3A_132] {strides = array<i32>} : memref<50x512xf32, #tpu.memory_space<vmem>>, vector<1x16xf32>,
        %swap3A_134 = vector.shape_cast %swap3A_133 : vector<1x16xf32> to vector<16xf32>
        %swap3A_135 = vector.shape_cast %mul3A_130 : vector<16xf32> to vector<1x16xf32>
        tpu.vector_store %arg8[%swap3A_131, %swap3A_132], %swap3A_135 {strides = array<i32>} : memref<50x512xf32, #tpu.memory_space<vmem>>, vector<1x16xf32>,
        %get3A_136 = arith.index_cast %scan3A_101 : i32 to index
        %get3A_137 = arith.constant 48 : index
        %get3A_138 = tpu.vector_load %arg6[%get3A_136, %get3A_137] {strides = array<i32>} : memref<56x512xf32, #tpu.memory_space<vmem>>, vector<1x16xf32>,
        %get3A_139 = vector.shape_cast %get3A_138 : vector<1x16xf32> to vector<16xf32>
        %mul3A_140 = arith.constant 22.6274166 : f32
        %mul3A_141 = vector.broadcast %mul3A_140 : f32 to vector<16xf32>
        %mul3A_142 = arith.mulf %get3A_139, %mul3A_141 : vector<16xf32>
        %swap3A_143 = arith.index_cast %scan3A_101 : i32 to index
        %swap3A_144 = arith.constant 48 : index
        %swap3A_145 = tpu.vector_load %arg8[%swap3A_143, %swap3A_144] {strides = array<i32>} : memref<50x512xf32, #tpu.memory_space<vmem>>, vector<1x16xf32>,
        %swap3A_146 = vector.shape_cast %swap3A_145 : vector<1x16xf32> to vector<16xf32>
        %swap3A_147 = vector.shape_cast %mul3A_142 : vector<16xf32> to vector<1x16xf32>
        tpu.vector_store %arg8[%swap3A_143, %swap3A_144], %swap3A_147 {strides = array<i32>} : memref<50x512xf32, #tpu.memory_space<vmem>>, vector<1x16xf32>,
        %get3A_148 = arith.index_cast %scan3A_101 : i32 to index
        %get3A_149 = arith.constant 64 : index
        %get3A_150 = tpu.vector_load %arg6[%get3A_148, %get3A_149] {strides = array<i32>} : memref<56x512xf32, #tpu.memory_space<vmem>>, vector<1x16xf32>,
        %get3A_151 = vector.shape_cast %get3A_150 : vector<1x16xf32> to vector<16xf32>
        %mul3A_152 = arith.constant 22.6274166 : f32
        %mul3A_153 = vector.broadcast %mul3A_152 : f32 to vector<16xf32>
        %mul3A_154 = arith.mulf %get3A_151, %mul3A_153 : vector<16xf32>
        %swap3A_155 = arith.index_cast %scan3A_101 : i32 to index
        %swap3A_156 = arith.constant 64 : index
        %swap3A_157 = tpu.vector_load %arg8[%swap3A_155, %swap3A_156] {strides = array<i32>} : memref<50x512xf32, #tpu.memory_space<vmem>>, vector<1x16xf32>,
        %swap3A_158 = vector.shape_cast %swap3A_157 : vector<1x16xf32> to vector<16xf32>
        %swap3A_159 = vector.shape_cast %mul3A_154 : vector<16xf32> to vector<1x16xf32>
        tpu.vector_store %arg8[%swap3A_155, %swap3A_156], %swap3A_159 {strides = array<i32>} : memref<50x512xf32, #tpu.memory_space<vmem>>, vector<1x16xf32>,
        %get3A_160 = arith.index_cast %scan3A_101 : i32 to index
        %get3A_161 = arith.constant 80 : index
        %get3A_162 = tpu.vector_load %arg6[%get3A_160, %get3A_161] {strides = array<i32>} : memref<56x512xf32, #tpu.memory_space<vmem>>, vector<1x16xf32>,
        %get3A_163 = vector.shape_cast %get3A_162 : vector<1x16xf32> to vector<16xf32>
        %mul3A_164 = arith.constant 22.6274166 : f32
        %mul3A_165 = vector.broadcast %mul3A_164 : f32 to vector<16xf32>
        %mul3A_166 = arith.mulf %get3A_163, %mul3A_165 : vector<16xf32>
        %swap3A_167 = arith.index_cast %scan3A_101 : i32 to index
        %swap3A_168 = arith.constant 80 : index
        %swap3A_169 = tpu.vector_load %arg8[%swap3A_167, %swap3A_168] {strides = array<i32>} : memref<50x512xf32, #tpu.memory_space<vmem>>, vector<1x16xf32>,
        %swap3A_170 = vector.shape_cast %swap3A_169 : vector<1x16xf32> to vector<16xf32>
        %swap3A_171 = vector.shape_cast %mul3A_166 : vector<16xf32> to vector<1x16xf32>
        tpu.vector_store %arg8[%swap3A_167, %swap3A_168], %swap3A_171 {strides = array<i32>} : memref<50x512xf32, #tpu.memory_space<vmem>>, vector<1x16xf32>,
        %get3A_172 = arith.index_cast %scan3A_101 : i32 to index
        %get3A_173 = arith.constant 96 : index
        %get3A_174 = tpu.vector_load %arg6[%get3A_172, %get3A_173] {strides = array<i32>} : memref<56x512xf32, #tpu.memory_space<vmem>>, vector<1x16xf32>,
        %get3A_175 = vector.shape_cast %get3A_174 : vector<1x16xf32> to vector<16xf32>
        %mul3A_176 = arith.constant 22.6274166 : f32
        %mul3A_177 = vector.broadcast %mul3A_176 : f32 to vector<16xf32>
        %mul3A_178 = arith.mulf %get3A_175, %mul3A_177 : vector<16xf32>
        %swap3A_179 = arith.index_cast %scan3A_101 : i32 to index
        %swap3A_180 = arith.constant 96 : index
        %swap3A_181 = tpu.vector_load %arg8[%swap3A_179, %swap3A_180] {strides = array<i32>} : memref<50x512xf32, #tpu.memory_space<vmem>>, vector<1x16xf32>,
        %swap3A_182 = vector.shape_cast %swap3A_181 : vector<1x16xf32> to vector<16xf32>
        %swap3A_183 = vector.shape_cast %mul3A_178 : vector<16xf32> to vector<1x16xf32>
        tpu.vector_store %arg8[%swap3A_179, %swap3A_180], %swap3A_183 {strides = array<i32>} : memref<50x512xf32, #tpu.memory_space<vmem>>, vector<1x16xf32>,
        %get3A_184 = arith.index_cast %scan3A_101 : i32 to index
        %get3A_185 = arith.constant 112 : index
        %get3A_186 = tpu.vector_load %arg6[%get3A_184, %get3A_185] {strides = array<i32>} : memref<56x512xf32, #tpu.memory_space<vmem>>, vector<1x16xf32>,
        %get3A_187 = vector.shape_cast %get3A_186 : vector<1x16xf32> to vector<16xf32>
        %mul3A_188 = arith.constant 22.6274166 : f32
        %mul3A_189 = vector.broadcast %mul3A_188 : f32 to vector<16xf32>
        %mul3A_190 = arith.mulf %get3A_187, %mul3A_189 : vector<16xf32>
        %swap3A_191 = arith.index_cast %scan3A_101 : i32 to index
        %swap3A_192 = arith.constant 112 : index
        %swap3A_193 = tpu.vector_load %arg8[%swap3A_191, %swap3A_192] {strides = array<i32>} : memref<50x512xf32, #tpu.memory_space<vmem>>, vector<1x16xf32>,
        %swap3A_194 = vector.shape_cast %swap3A_193 : vector<1x16xf32> to vector<16xf32>
        %swap3A_195 = vector.shape_cast %mul3A_190 : vector<16xf32> to vector<1x16xf32>
        tpu.vector_store %arg8[%swap3A_191, %swap3A_192], %swap3A_195 {strides = array<i32>} : memref<50x512xf32, #tpu.memory_space<vmem>>, vector<1x16xf32>,
        %get3A_196 = arith.index_cast %scan3A_101 : i32 to index
        %get3A_197 = arith.constant 128 : index
        %get3A_198 = tpu.vector_load %arg6[%get3A_196, %get3A_197] {strides = array<i32>} : memref<56x512xf32, #tpu.memory_space<vmem>>, vector<1x16xf32>,
        %get3A_199 = vector.shape_cast %get3A_198 : vector<1x16xf32> to vector<16xf32>
        %mul3A_200 = arith.constant 22.6274166 : f32
        %mul3A_201 = vector.broadcast %mul3A_200 : f32 to vector<16xf32>
        %mul3A_202 = arith.mulf %get3A_199, %mul3A_201 : vector<16xf32>
        %swap3A_203 = arith.index_cast %scan3A_101 : i32 to index
        %swap3A_204 = arith.constant 128 : index
        %swap3A_205 = tpu.vector_load %arg8[%swap3A_203, %swap3A_204] {strides = array<i32>} : memref<50x512xf32, #tpu.memory_space<vmem>>, vector<1x16xf32>,
        %swap3A_206 = vector.shape_cast %swap3A_205 : vector<1x16xf32> to vector<16xf32>
        %swap3A_207 = vector.shape_cast %mul3A_202 : vector<16xf32> to vector<1x16xf32>
        tpu.vector_store %arg8[%swap3A_203, %swap3A_204], %swap3A_207 {strides = array<i32>} : memref<50x512xf32, #tpu.memory_space<vmem>>, vector<1x16xf32>,
        %get3A_208 = arith.index_cast %scan3A_101 : i32 to index
        %get3A_209 = arith.constant 144 : index
        %get3A_210 = tpu.vector_load %arg6[%get3A_208, %get3A_209] {strides = array<i32>} : memref<56x512xf32, #tpu.memory_space<vmem>>, vector<1x16xf32>,
        %get3A_211 = vector.shape_cast %get3A_210 : vector<1x16xf32> to vector<16xf32>
        %mul3A_212 = arith.constant 22.6274166 : f32
        %mul3A_213 = vector.broadcast %mul3A_212 : f32 to vector<16xf32>
        %mul3A_214 = arith.mulf %get3A_211, %mul3A_213 : vector<16xf32>
        %swap3A_215 = arith.index_cast %scan3A_101 : i32 to index
        %swap3A_216 = arith.constant 144 : index
        %swap3A_217 = tpu.vector_load %arg8[%swap3A_215, %swap3A_216] {strides = array<i32>} : memref<50x512xf32, #tpu.memory_space<vmem>>, vector<1x16xf32>,
        %swap3A_218 = vector.shape_cast %swap3A_217 : vector<1x16xf32> to vector<16xf32>
        %swap3A_219 = vector.shape_cast %mul3A_214 : vector<16xf32> to vector<1x16xf32>
        tpu.vector_store %arg8[%swap3A_215, %swap3A_216], %swap3A_219 {strides = array<i32>} : memref<50x512xf32, #tpu.memory_space<vmem>>, vector<1x16xf32>,
        %get3A_220 = arith.index_cast %scan3A_101 : i32 to index
        %get3A_221 = arith.constant 160 : index
        %get3A_222 = tpu.vector_load %arg6[%get3A_220, %get3A_221] {strides = array<i32>} : memref<56x512xf32, #tpu.memory_space<vmem>>, vector<1x16xf32>,
        %get3A_223 = vector.shape_cast %get3A_222 : vector<1x16xf32> to vector<16xf32>
        %mul3A_224 = arith.constant 22.6274166 : f32
        %mul3A_225 = vector.broadcast %mul3A_224 : f32 to vector<16xf32>
        %mul3A_226 = arith.mulf %get3A_223, %mul3A_225 : vector<16xf32>
        %swap3A_227 = arith.index_cast %scan3A_101 : i32 to index
        %swap3A_228 = arith.constant 160 : index
        %swap3A_229 = tpu.vector_load %arg8[%swap3A_227, %swap3A_228] {strides = array<i32>} : memref<50x512xf32, #tpu.memory_space<vmem>>, vector<1x16xf32>,
        %swap3A_230 = vector.shape_cast %swap3A_229 : vector<1x16xf32> to vector<16xf32>
        %swap3A_231 = vector.shape_cast %mul3A_226 : vector<16xf32> to vector<1x16xf32>
        tpu.vector_store %arg8[%swap3A_227, %swap3A_228], %swap3A_231 {strides = array<i32>} : memref<50x512xf32, #tpu.memory_space<vmem>>, vector<1x16xf32>,
        %get3A_232 = arith.index_cast %scan3A_101 : i32 to index
        %get3A_233 = arith.constant 176 : index
        %get3A_234 = tpu.vector_load %arg6[%get3A_232, %get3A_233] {strides = array<i32>} : memref<56x512xf32, #tpu.memory_space<vmem>>, vector<1x16xf32>,
        %get3A_235 = vector.shape_cast %get3A_234 : vector<1x16xf32> to vector<16xf32>
        %mul3A_236 = arith.constant 22.6274166 : f32
        %mul3A_237 = vector.broadcast %mul3A_236 : f32 to vector<16xf32>
        %mul3A_238 = arith.mulf %get3A_235, %mul3A_237 : vector<16xf32>
        %swap3A_239 = arith.index_cast %scan3A_101 : i32 to index
        %swap3A_240 = arith.constant 176 : index
        %swap3A_241 = tpu.vector_load %arg8[%swap3A_239, %swap3A_240] {strides = array<i32>} : memref<50x512xf32, #tpu.memory_space<vmem>>, vector<1x16xf32>,
        %swap3A_242 = vector.shape_cast %swap3A_241 : vector<1x16xf32> to vector<16xf32>
        %swap3A_243 = vector.shape_cast %mul3A_238 : vector<16xf32> to vector<1x16xf32>
        tpu.vector_store %arg8[%swap3A_239, %swap3A_240], %swap3A_243 {strides = array<i32>} : memref<50x512xf32, #tpu.memory_space<vmem>>, vector<1x16xf32>,
        %get3A_244 = arith.index_cast %scan3A_101 : i32 to index
        %get3A_245 = arith.constant 192 : index
        %get3A_246 = tpu.vector_load %arg6[%get3A_244, %get3A_245] {strides = array<i32>} : memref<56x512xf32, #tpu.memory_space<vmem>>, vector<1x16xf32>,
        %get3A_247 = vector.shape_cast %get3A_246 : vector<1x16xf32> to vector<16xf32>
        %mul3A_248 = arith.constant 22.6274166 : f32
        %mul3A_249 = vector.broadcast %mul3A_248 : f32 to vector<16xf32>
        %mul3A_250 = arith.mulf %get3A_247, %mul3A_249 : vector<16xf32>
        %swap3A_251 = arith.index_cast %scan3A_101 : i32 to index
        %swap3A_252 = arith.constant 192 : index
        %swap3A_253 = tpu.vector_load %arg8[%swap3A_251, %swap3A_252] {strides = array<i32>} : memref<50x512xf32, #tpu.memory_space<vmem>>, vector<1x16xf32>,
        %swap3A_254 = vector.shape_cast %swap3A_253 : vector<1x16xf32> to vector<16xf32>
        %swap3A_255 = vector.shape_cast %mul3A_250 : vector<16xf32> to vector<1x16xf32>
        tpu.vector_store %arg8[%swap3A_251, %swap3A_252], %swap3A_255 {strides = array<i32>} : memref<50x512xf32, #tpu.memory_space<vmem>>, vector<1x16xf32>,
        %get3A_256 = arith.index_cast %scan3A_101 : i32 to index
        %get3A_257 = arith.constant 208 : index
        %get3A_258 = tpu.vector_load %arg6[%get3A_256, %get3A_257] {strides = array<i32>} : memref<56x512xf32, #tpu.memory_space<vmem>>, vector<1x16xf32>,
        %get3A_259 = vector.shape_cast %get3A_258 : vector<1x16xf32> to vector<16xf32>
        %mul3A_260 = arith.constant 22.6274166 : f32
        %mul3A_261 = vector.broadcast %mul3A_260 : f32 to vector<16xf32>
        %mul3A_262 = arith.mulf %get3A_259, %mul3A_261 : vector<16xf32>
        %swap3A_263 = arith.index_cast %scan3A_101 : i32 to index
        %swap3A_264 = arith.constant 208 : index
        %swap3A_265 = tpu.vector_load %arg8[%swap3A_263, %swap3A_264] {strides = array<i32>} : memref<50x512xf32, #tpu.memory_space<vmem>>, vector<1x16xf32>,
        %swap3A_266 = vector.shape_cast %swap3A_265 : vector<1x16xf32> to vector<16xf32>
        %swap3A_267 = vector.shape_cast %mul3A_262 : vector<16xf32> to vector<1x16xf32>
        tpu.vector_store %arg8[%swap3A_263, %swap3A_264], %swap3A_267 {strides = array<i32>} : memref<50x512xf32, #tpu.memory_space<vmem>>, vector<1x16xf32>,
        %get3A_268 = arith.index_cast %scan3A_101 : i32 to index
        %get3A_269 = arith.constant 224 : index
        %get3A_270 = tpu.vector_load %arg6[%get3A_268, %get3A_269] {strides = array<i32>} : memref<56x512xf32, #tpu.memory_space<vmem>>, vector<1x16xf32>,
        %get3A_271 = vector.shape_cast %get3A_270 : vector<1x16xf32> to vector<16xf32>
        %mul3A_272 = arith.constant 22.6274166 : f32
        %mul3A_273 = vector.broadcast %mul3A_272 : f32 to vector<16xf32>
        %mul3A_274 = arith.mulf %get3A_271, %mul3A_273 : vector<16xf32>
        %swap3A_275 = arith.index_cast %scan3A_101 : i32 to index
        %swap3A_276 = arith.constant 224 : index
        %swap3A_277 = tpu.vector_load %arg8[%swap3A_275, %swap3A_276] {strides = array<i32>} : memref<50x512xf32, #tpu.memory_space<vmem>>, vector<1x16xf32>,
        %swap3A_278 = vector.shape_cast %swap3A_277 : vector<1x16xf32> to vector<16xf32>
        %swap3A_279 = vector.shape_cast %mul3A_274 : vector<16xf32> to vector<1x16xf32>
        tpu.vector_store %arg8[%swap3A_275, %swap3A_276], %swap3A_279 {strides = array<i32>} : memref<50x512xf32, #tpu.memory_space<vmem>>, vector<1x16xf32>,
        %get3A_280 = arith.index_cast %scan3A_101 : i32 to index
        %get3A_281 = arith.constant 240 : index
        %get3A_282 = tpu.vector_load %arg6[%get3A_280, %get3A_281] {strides = array<i32>} : memref<56x512xf32, #tpu.memory_space<vmem>>, vector<1x16xf32>,
        %get3A_283 = vector.shape_cast %get3A_282 : vector<1x16xf32> to vector<16xf32>
        %mul3A_284 = arith.constant 22.6274166 : f32
        %mul3A_285 = vector.broadcast %mul3A_284 : f32 to vector<16xf32>
        %mul3A_286 = arith.mulf %get3A_283, %mul3A_285 : vector<16xf32>
        %swap3A_287 = arith.index_cast %scan3A_101 : i32 to index
        %swap3A_288 = arith.constant 240 : index
        %swap3A_289 = tpu.vector_load %arg8[%swap3A_287, %swap3A_288] {strides = array<i32>} : memref<50x512xf32, #tpu.memory_space<vmem>>, vector<1x16xf32>,
        %swap3A_290 = vector.shape_cast %swap3A_289 : vector<1x16xf32> to vector<16xf32>
        %swap3A_291 = vector.shape_cast %mul3A_286 : vector<16xf32> to vector<1x16xf32>
        tpu.vector_store %arg8[%swap3A_287, %swap3A_288], %swap3A_291 {strides = array<i32>} : memref<50x512xf32, #tpu.memory_space<vmem>>, vector<1x16xf32>,
        %get3A_292 = arith.index_cast %scan3A_101 : i32 to index
        %get3A_293 = arith.constant 256 : index
        %get3A_294 = tpu.vector_load %arg6[%get3A_292, %get3A_293] {strides = array<i32>} : memref<56x512xf32, #tpu.memory_space<vmem>>, vector<1x16xf32>,
        %get3A_295 = vector.shape_cast %get3A_294 : vector<1x16xf32> to vector<16xf32>
        %mul3A_296 = arith.constant 22.6274166 : f32
        %mul3A_297 = vector.broadcast %mul3A_296 : f32 to vector<16xf32>
        %mul3A_298 = arith.mulf %get3A_295, %mul3A_297 : vector<16xf32>
        %swap3A_299 = arith.index_cast %scan3A_101 : i32 to index
        %swap3A_300 = arith.constant 256 : index
        %swap3A_301 = tpu.vector_load %arg8[%swap3A_299, %swap3A_300] {strides = array<i32>} : memref<50x512xf32, #tpu.memory_space<vmem>>, vector<1x16xf32>,
        %swap3A_302 = vector.shape_cast %swap3A_301 : vector<1x16xf32> to vector<16xf32>
        %swap3A_303 = vector.shape_cast %mul3A_298 : vector<16xf32> to vector<1x16xf32>
        tpu.vector_store %arg8[%swap3A_299, %swap3A_300], %swap3A_303 {strides = array<i32>} : memref<50x512xf32, #tpu.memory_space<vmem>>, vector<1x16xf32>,
        %get3A_304 = arith.index_cast %scan3A_101 : i32 to index
        %get3A_305 = arith.constant 272 : index
        %get3A_306 = tpu.vector_load %arg6[%get3A_304, %get3A_305] {strides = array<i32>} : memref<56x512xf32, #tpu.memory_space<vmem>>, vector<1x16xf32>,
        %get3A_307 = vector.shape_cast %get3A_306 : vector<1x16xf32> to vector<16xf32>
        %mul3A_308 = arith.constant 22.6274166 : f32
        %mul3A_309 = vector.broadcast %mul3A_308 : f32 to vector<16xf32>
        %mul3A_310 = arith.mulf %get3A_307, %mul3A_309 : vector<16xf32>
        %swap3A_311 = arith.index_cast %scan3A_101 : i32 to index
        %swap3A_312 = arith.constant 272 : index
        %swap3A_313 = tpu.vector_load %arg8[%swap3A_311, %swap3A_312] {strides = array<i32>} : memref<50x512xf32, #tpu.memory_space<vmem>>, vector<1x16xf32>,
        %swap3A_314 = vector.shape_cast %swap3A_313 : vector<1x16xf32> to vector<16xf32>
        %swap3A_315 = vector.shape_cast %mul3A_310 : vector<16xf32> to vector<1x16xf32>
        tpu.vector_store %arg8[%swap3A_311, %swap3A_312], %swap3A_315 {strides = array<i32>} : memref<50x512xf32, #tpu.memory_space<vmem>>, vector<1x16xf32>,
        %get3A_316 = arith.index_cast %scan3A_101 : i32 to index
        %get3A_317 = arith.constant 288 : index
        %get3A_318 = tpu.vector_load %arg6[%get3A_316, %get3A_317] {strides = array<i32>} : memref<56x512xf32, #tpu.memory_space<vmem>>, vector<1x16xf32>,
        %get3A_319 = vector.shape_cast %get3A_318 : vector<1x16xf32> to vector<16xf32>
        %mul3A_320 = arith.constant 22.6274166 : f32
        %mul3A_321 = vector.broadcast %mul3A_320 : f32 to vector<16xf32>
        %mul3A_322 = arith.mulf %get3A_319, %mul3A_321 : vector<16xf32>
        %swap3A_323 = arith.index_cast %scan3A_101 : i32 to index
        %swap3A_324 = arith.constant 288 : index
        %swap3A_325 = tpu.vector_load %arg8[%swap3A_323, %swap3A_324] {strides = array<i32>} : memref<50x512xf32, #tpu.memory_space<vmem>>, vector<1x16xf32>,
        %swap3A_326 = vector.shape_cast %swap3A_325 : vector<1x16xf32> to vector<16xf32>
        %swap3A_327 = vector.shape_cast %mul3A_322 : vector<16xf32> to vector<1x16xf32>
        tpu.vector_store %arg8[%swap3A_323, %swap3A_324], %swap3A_327 {strides = array<i32>} : memref<50x512xf32, #tpu.memory_space<vmem>>, vector<1x16xf32>,
        %get3A_328 = arith.index_cast %scan3A_101 : i32 to index
        %get3A_329 = arith.constant 304 : index
        %get3A_330 = tpu.vector_load %arg6[%get3A_328, %get3A_329] {strides = array<i32>} : memref<56x512xf32, #tpu.memory_space<vmem>>, vector<1x16xf32>,
        %get3A_331 = vector.shape_cast %get3A_330 : vector<1x16xf32> to vector<16xf32>
        %mul3A_332 = arith.constant 22.6274166 : f32
        %mul3A_333 = vector.broadcast %mul3A_332 : f32 to vector<16xf32>
        %mul3A_334 = arith.mulf %get3A_331, %mul3A_333 : vector<16xf32>
        %swap3A_335 = arith.index_cast %scan3A_101 : i32 to index
        %swap3A_336 = arith.constant 304 : index
        %swap3A_337 = tpu.vector_load %arg8[%swap3A_335, %swap3A_336] {strides = array<i32>} : memref<50x512xf32, #tpu.memory_space<vmem>>, vector<1x16xf32>,
        %swap3A_338 = vector.shape_cast %swap3A_337 : vector<1x16xf32> to vector<16xf32>
        %swap3A_339 = vector.shape_cast %mul3A_334 : vector<16xf32> to vector<1x16xf32>
        tpu.vector_store %arg8[%swap3A_335, %swap3A_336], %swap3A_339 {strides = array<i32>} : memref<50x512xf32, #tpu.memory_space<vmem>>, vector<1x16xf32>,
        %get3A_340 = arith.index_cast %scan3A_101 : i32 to index
        %get3A_341 = arith.constant 320 : index
        %get3A_342 = tpu.vector_load %arg6[%get3A_340, %get3A_341] {strides = array<i32>} : memref<56x512xf32, #tpu.memory_space<vmem>>, vector<1x16xf32>,
        %get3A_343 = vector.shape_cast %get3A_342 : vector<1x16xf32> to vector<16xf32>
        %mul3A_344 = arith.constant 22.6274166 : f32
        %mul3A_345 = vector.broadcast %mul3A_344 : f32 to vector<16xf32>
        %mul3A_346 = arith.mulf %get3A_343, %mul3A_345 : vector<16xf32>
        %swap3A_347 = arith.index_cast %scan3A_101 : i32 to index
        %swap3A_348 = arith.constant 320 : index
        %swap3A_349 = tpu.vector_load %arg8[%swap3A_347, %swap3A_348] {strides = array<i32>} : memref<50x512xf32, #tpu.memory_space<vmem>>, vector<1x16xf32>,
        %swap3A_350 = vector.shape_cast %swap3A_349 : vector<1x16xf32> to vector<16xf32>
        %swap3A_351 = vector.shape_cast %mul3A_346 : vector<16xf32> to vector<1x16xf32>
        tpu.vector_store %arg8[%swap3A_347, %swap3A_348], %swap3A_351 {strides = array<i32>} : memref<50x512xf32, #tpu.memory_space<vmem>>, vector<1x16xf32>,
        %get3A_352 = arith.index_cast %scan3A_101 : i32 to index
        %get3A_353 = arith.constant 336 : index
        %get3A_354 = tpu.vector_load %arg6[%get3A_352, %get3A_353] {strides = array<i32>} : memref<56x512xf32, #tpu.memory_space<vmem>>, vector<1x16xf32>,
        %get3A_355 = vector.shape_cast %get3A_354 : vector<1x16xf32> to vector<16xf32>
        %mul3A_356 = arith.constant 22.6274166 : f32
        %mul3A_357 = vector.broadcast %mul3A_356 : f32 to vector<16xf32>
        %mul3A_358 = arith.mulf %get3A_355, %mul3A_357 : vector<16xf32>
        %swap3A_359 = arith.index_cast %scan3A_101 : i32 to index
        %swap3A_360 = arith.constant 336 : index
        %swap3A_361 = tpu.vector_load %arg8[%swap3A_359, %swap3A_360] {strides = array<i32>} : memref<50x512xf32, #tpu.memory_space<vmem>>, vector<1x16xf32>,
        %swap3A_362 = vector.shape_cast %swap3A_361 : vector<1x16xf32> to vector<16xf32>
        %swap3A_363 = vector.shape_cast %mul3A_358 : vector<16xf32> to vector<1x16xf32>
        tpu.vector_store %arg8[%swap3A_359, %swap3A_360], %swap3A_363 {strides = array<i32>} : memref<50x512xf32, #tpu.memory_space<vmem>>, vector<1x16xf32>,
        %get3A_364 = arith.index_cast %scan3A_101 : i32 to index
        %get3A_365 = arith.constant 352 : index
        %get3A_366 = tpu.vector_load %arg6[%get3A_364, %get3A_365] {strides = array<i32>} : memref<56x512xf32, #tpu.memory_space<vmem>>, vector<1x16xf32>,
        %get3A_367 = vector.shape_cast %get3A_366 : vector<1x16xf32> to vector<16xf32>
        %mul3A_368 = arith.constant 22.6274166 : f32
        %mul3A_369 = vector.broadcast %mul3A_368 : f32 to vector<16xf32>
        %mul3A_370 = arith.mulf %get3A_367, %mul3A_369 : vector<16xf32>
        %swap3A_371 = arith.index_cast %scan3A_101 : i32 to index
        %swap3A_372 = arith.constant 352 : index
        %swap3A_373 = tpu.vector_load %arg8[%swap3A_371, %swap3A_372] {strides = array<i32>} : memref<50x512xf32, #tpu.memory_space<vmem>>, vector<1x16xf32>,
        %swap3A_374 = vector.shape_cast %swap3A_373 : vector<1x16xf32> to vector<16xf32>
        %swap3A_375 = vector.shape_cast %mul3A_370 : vector<16xf32> to vector<1x16xf32>
        tpu.vector_store %arg8[%swap3A_371, %swap3A_372], %swap3A_375 {strides = array<i32>} : memref<50x512xf32, #tpu.memory_space<vmem>>, vector<1x16xf32>,
        %get3A_376 = arith.index_cast %scan3A_101 : i32 to index
        %get3A_377 = arith.constant 368 : index
        %get3A_378 = tpu.vector_load %arg6[%get3A_376, %get3A_377] {strides = array<i32>} : memref<56x512xf32, #tpu.memory_space<vmem>>, vector<1x16xf32>,
        %get3A_379 = vector.shape_cast %get3A_378 : vector<1x16xf32> to vector<16xf32>
        %mul3A_380 = arith.constant 22.6274166 : f32
        %mul3A_381 = vector.broadcast %mul3A_380 : f32 to vector<16xf32>
        %mul3A_382 = arith.mulf %get3A_379, %mul3A_381 : vector<16xf32>
        %swap3A_383 = arith.index_cast %scan3A_101 : i32 to index
        %swap3A_384 = arith.constant 368 : index
        %swap3A_385 = tpu.vector_load %arg8[%swap3A_383, %swap3A_384] {strides = array<i32>} : memref<50x512xf32, #tpu.memory_space<vmem>>, vector<1x16xf32>,
        %swap3A_386 = vector.shape_cast %swap3A_385 : vector<1x16xf32> to vector<16xf32>
        %swap3A_387 = vector.shape_cast %mul3A_382 : vector<16xf32> to vector<1x16xf32>
        tpu.vector_store %arg8[%swap3A_383, %swap3A_384], %swap3A_387 {strides = array<i32>} : memref<50x512xf32, #tpu.memory_space<vmem>>, vector<1x16xf32>,
        %get3A_388 = arith.index_cast %scan3A_101 : i32 to index
        %get3A_389 = arith.constant 384 : index
        %get3A_390 = tpu.vector_load %arg6[%get3A_388, %get3A_389] {strides = array<i32>} : memref<56x512xf32, #tpu.memory_space<vmem>>, vector<1x16xf32>,
        %get3A_391 = vector.shape_cast %get3A_390 : vector<1x16xf32> to vector<16xf32>
        %mul3A_392 = arith.constant 22.6274166 : f32
        %mul3A_393 = vector.broadcast %mul3A_392 : f32 to vector<16xf32>
        %mul3A_394 = arith.mulf %get3A_391, %mul3A_393 : vector<16xf32>
        %swap3A_395 = arith.index_cast %scan3A_101 : i32 to index
        %swap3A_396 = arith.constant 384 : index
        %swap3A_397 = tpu.vector_load %arg8[%swap3A_395, %swap3A_396] {strides = array<i32>} : memref<50x512xf32, #tpu.memory_space<vmem>>, vector<1x16xf32>,
        %swap3A_398 = vector.shape_cast %swap3A_397 : vector<1x16xf32> to vector<16xf32>
        %swap3A_399 = vector.shape_cast %mul3A_394 : vector<16xf32> to vector<1x16xf32>
        tpu.vector_store %arg8[%swap3A_395, %swap3A_396], %swap3A_399 {strides = array<i32>} : memref<50x512xf32, #tpu.memory_space<vmem>>, vector<1x16xf32>,
        %get3A_400 = arith.index_cast %scan3A_101 : i32 to index
        %get3A_401 = arith.constant 400 : index
        %get3A_402 = tpu.vector_load %arg6[%get3A_400, %get3A_401] {strides = array<i32>} : memref<56x512xf32, #tpu.memory_space<vmem>>, vector<1x16xf32>,
        %get3A_403 = vector.shape_cast %get3A_402 : vector<1x16xf32> to vector<16xf32>
        %mul3A_404 = arith.constant 22.6274166 : f32
        %mul3A_405 = vector.broadcast %mul3A_404 : f32 to vector<16xf32>
        %mul3A_406 = arith.mulf %get3A_403, %mul3A_405 : vector<16xf32>
        %swap3A_407 = arith.index_cast %scan3A_101 : i32 to index
        %swap3A_408 = arith.constant 400 : index
        %swap3A_409 = tpu.vector_load %arg8[%swap3A_407, %swap3A_408] {strides = array<i32>} : memref<50x512xf32, #tpu.memory_space<vmem>>, vector<1x16xf32>,
        %swap3A_410 = vector.shape_cast %swap3A_409 : vector<1x16xf32> to vector<16xf32>
        %swap3A_411 = vector.shape_cast %mul3A_406 : vector<16xf32> to vector<1x16xf32>
        tpu.vector_store %arg8[%swap3A_407, %swap3A_408], %swap3A_411 {strides = array<i32>} : memref<50x512xf32, #tpu.memory_space<vmem>>, vector<1x16xf32>,
        %get3A_412 = arith.index_cast %scan3A_101 : i32 to index
        %get3A_413 = arith.constant 416 : index
        %get3A_414 = tpu.vector_load %arg6[%get3A_412, %get3A_413] {strides = array<i32>} : memref<56x512xf32, #tpu.memory_space<vmem>>, vector<1x16xf32>,
        %get3A_415 = vector.shape_cast %get3A_414 : vector<1x16xf32> to vector<16xf32>
        %mul3A_416 = arith.constant 22.6274166 : f32
        %mul3A_417 = vector.broadcast %mul3A_416 : f32 to vector<16xf32>
        %mul3A_418 = arith.mulf %get3A_415, %mul3A_417 : vector<16xf32>
        %swap3A_419 = arith.index_cast %scan3A_101 : i32 to index
        %swap3A_420 = arith.constant 416 : index
        %swap3A_421 = tpu.vector_load %arg8[%swap3A_419, %swap3A_420] {strides = array<i32>} : memref<50x512xf32, #tpu.memory_space<vmem>>, vector<1x16xf32>,
        %swap3A_422 = vector.shape_cast %swap3A_421 : vector<1x16xf32> to vector<16xf32>
        %swap3A_423 = vector.shape_cast %mul3A_418 : vector<16xf32> to vector<1x16xf32>
        tpu.vector_store %arg8[%swap3A_419, %swap3A_420], %swap3A_423 {strides = array<i32>} : memref<50x512xf32, #tpu.memory_space<vmem>>, vector<1x16xf32>,
        %get3A_424 = arith.index_cast %scan3A_101 : i32 to index
        %get3A_425 = arith.constant 432 : index
        %get3A_426 = tpu.vector_load %arg6[%get3A_424, %get3A_425] {strides = array<i32>} : memref<56x512xf32, #tpu.memory_space<vmem>>, vector<1x16xf32>,
        %get3A_427 = vector.shape_cast %get3A_426 : vector<1x16xf32> to vector<16xf32>
        %mul3A_428 = arith.constant 22.6274166 : f32
        %mul3A_429 = vector.broadcast %mul3A_428 : f32 to vector<16xf32>
        %mul3A_430 = arith.mulf %get3A_427, %mul3A_429 : vector<16xf32>
        %swap3A_431 = arith.index_cast %scan3A_101 : i32 to index
        %swap3A_432 = arith.constant 432 : index
        %swap3A_433 = tpu.vector_load %arg8[%swap3A_431, %swap3A_432] {strides = array<i32>} : memref<50x512xf32, #tpu.memory_space<vmem>>, vector<1x16xf32>,
        %swap3A_434 = vector.shape_cast %swap3A_433 : vector<1x16xf32> to vector<16xf32>
        %swap3A_435 = vector.shape_cast %mul3A_430 : vector<16xf32> to vector<1x16xf32>
        tpu.vector_store %arg8[%swap3A_431, %swap3A_432], %swap3A_435 {strides = array<i32>} : memref<50x512xf32, #tpu.memory_space<vmem>>, vector<1x16xf32>,
        %get3A_436 = arith.index_cast %scan3A_101 : i32 to index
        %get3A_437 = arith.constant 448 : index
        %get3A_438 = tpu.vector_load %arg6[%get3A_436, %get3A_437] {strides = array<i32>} : memref<56x512xf32, #tpu.memory_space<vmem>>, vector<1x16xf32>,
        %get3A_439 = vector.shape_cast %get3A_438 : vector<1x16xf32> to vector<16xf32>
        %mul3A_440 = arith.constant 22.6274166 : f32
        %mul3A_441 = vector.broadcast %mul3A_440 : f32 to vector<16xf32>
        %mul3A_442 = arith.mulf %get3A_439, %mul3A_441 : vector<16xf32>
        %swap3A_443 = arith.index_cast %scan3A_101 : i32 to index
        %swap3A_444 = arith.constant 448 : index
        %swap3A_445 = tpu.vector_load %arg8[%swap3A_443, %swap3A_444] {strides = array<i32>} : memref<50x512xf32, #tpu.memory_space<vmem>>, vector<1x16xf32>,
        %swap3A_446 = vector.shape_cast %swap3A_445 : vector<1x16xf32> to vector<16xf32>
        %swap3A_447 = vector.shape_cast %mul3A_442 : vector<16xf32> to vector<1x16xf32>
        tpu.vector_store %arg8[%swap3A_443, %swap3A_444], %swap3A_447 {strides = array<i32>} : memref<50x512xf32, #tpu.memory_space<vmem>>, vector<1x16xf32>,
        %get3A_448 = arith.index_cast %scan3A_101 : i32 to index
        %get3A_449 = arith.constant 464 : index
        %get3A_450 = tpu.vector_load %arg6[%get3A_448, %get3A_449] {strides = array<i32>} : memref<56x512xf32, #tpu.memory_space<vmem>>, vector<1x16xf32>,
        %get3A_451 = vector.shape_cast %get3A_450 : vector<1x16xf32> to vector<16xf32>
        %mul3A_452 = arith.constant 22.6274166 : f32
        %mul3A_453 = vector.broadcast %mul3A_452 : f32 to vector<16xf32>
        %mul3A_454 = arith.mulf %get3A_451, %mul3A_453 : vector<16xf32>
        %swap3A_455 = arith.index_cast %scan3A_101 : i32 to index
        %swap3A_456 = arith.constant 464 : index
        %swap3A_457 = tpu.vector_load %arg8[%swap3A_455, %swap3A_456] {strides = array<i32>} : memref<50x512xf32, #tpu.memory_space<vmem>>, vector<1x16xf32>,
        %swap3A_458 = vector.shape_cast %swap3A_457 : vector<1x16xf32> to vector<16xf32>
        %swap3A_459 = vector.shape_cast %mul3A_454 : vector<16xf32> to vector<1x16xf32>
        tpu.vector_store %arg8[%swap3A_455, %swap3A_456], %swap3A_459 {strides = array<i32>} : memref<50x512xf32, #tpu.memory_space<vmem>>, vector<1x16xf32>,
        %get3A_460 = arith.index_cast %scan3A_101 : i32 to index
        %get3A_461 = arith.constant 480 : index
        %get3A_462 = tpu.vector_load %arg6[%get3A_460, %get3A_461] {strides = array<i32>} : memref<56x512xf32, #tpu.memory_space<vmem>>, vector<1x16xf32>,
        %get3A_463 = vector.shape_cast %get3A_462 : vector<1x16xf32> to vector<16xf32>
        %mul3A_464 = arith.constant 22.6274166 : f32
        %mul3A_465 = vector.broadcast %mul3A_464 : f32 to vector<16xf32>
        %mul3A_466 = arith.mulf %get3A_463, %mul3A_465 : vector<16xf32>
        %swap3A_467 = arith.index_cast %scan3A_101 : i32 to index
        %swap3A_468 = arith.constant 480 : index
        %swap3A_469 = tpu.vector_load %arg8[%swap3A_467, %swap3A_468] {strides = array<i32>} : memref<50x512xf32, #tpu.memory_space<vmem>>, vector<1x16xf32>,
        %swap3A_470 = vector.shape_cast %swap3A_469 : vector<1x16xf32> to vector<16xf32>
        %swap3A_471 = vector.shape_cast %mul3A_466 : vector<16xf32> to vector<1x16xf32>
        tpu.vector_store %arg8[%swap3A_467, %swap3A_468], %swap3A_471 {strides = array<i32>} : memref<50x512xf32, #tpu.memory_space<vmem>>, vector<1x16xf32>,
        %get3A_472 = arith.index_cast %scan3A_101 : i32 to index
        %get3A_473 = arith.constant 496 : index
        %get3A_474 = tpu.vector_load %arg6[%get3A_472, %get3A_473] {strides = array<i32>} : memref<56x512xf32, #tpu.memory_space<vmem>>, vector<1x16xf32>,
        %get3A_475 = vector.shape_cast %get3A_474 : vector<1x16xf32> to vector<16xf32>
        %mul3A_476 = arith.constant 22.6274166 : f32
        %mul3A_477 = vector.broadcast %mul3A_476 : f32 to vector<16xf32>
        %mul3A_478 = arith.mulf %get3A_475, %mul3A_477 : vector<16xf32>
        %swap3A_479 = arith.index_cast %scan3A_101 : i32 to index
        %swap3A_480 = arith.constant 496 : index
        %swap3A_481 = tpu.vector_load %arg8[%swap3A_479, %swap3A_480] {strides = array<i32>} : memref<50x512xf32, #tpu.memory_space<vmem>>, vector<1x16xf32>,
        %swap3A_482 = vector.shape_cast %swap3A_481 : vector<1x16xf32> to vector<16xf32>
        %swap3A_483 = vector.shape_cast %mul3A_478 : vector<16xf32> to vector<1x16xf32>
        tpu.vector_store %arg8[%swap3A_479, %swap3A_480], %swap3A_483 {strides = array<i32>} : memref<50x512xf32, #tpu.memory_space<vmem>>, vector<1x16xf32>,
      }
      %scan3A_53 = arith.constant 50 : i32
      %lt3A = arith.constant 63 : i32
      %lt3A_54 = arith.cmpi slt, %scan3A_36, %lt3A : i32
      %convert_element_type3A_55 = arith.extui %lt3A_54 : i1 to i32
      %cond3A_56 = arith.constant 0 : i32
      %cond3A_57 = arith.cmpi ne, %convert_element_type3A_55, %cond3A_56 : i32
      scf.if %cond3A_57 {
        %add3A_101 = arith.constant 2 : i32
        %add3A_102 = arith.addi %mul3A_38, %add3A_101 : i32
        %dma_start3A_103 = arith.constant 0 : i32
        %dma_start3A_104 = tpu.memref_slice %arg5[%add3A_102, %dma_start3A_103] : memref<128x56xi32, #tpu.memory_space<vmem>> -> memref<1x56xi32, #tpu.memory_space<vmem>>
        %dma_start3A_105 = tpu.memref_squeeze %dma_start3A_104 : memref<1x56xi32, #tpu.memory_space<vmem>> -> memref<56xi32, #tpu.memory_space<vmem>>
        %dma_start3A_106 = arith.constant 0 : i32
        %dma_start3A_107 = arith.constant 0 : i32
        %dma_start3A_108 = tpu.memref_slice %arg3[%dma_start3A_106, %dma_start3A_107] : memref<100000x512xf32, #tpu.memory_space<hbm>> -> memref<100000x512xf32, #tpu.memory_space<hbm>>
        tpu.enqueue_indirect_dma source(%dma_start3A_108 : memref<100000x512xf32, #tpu.memory_space<hbm>>) target(%arg6 : memref<56x512xf32, #tpu.memory_space<vmem>>) offsets(%dma_start3A_105 : memref<56xi32, #tpu.memory_space<vmem>>) semaphore(%arg10 : memref<!tpu.dma_semaphore, #tpu.memory_space<semaphore_mem>>)
      } else {
      }
      %add3A_58 = arith.addi %mul3A_2, %mul3A_38 : i32
      %dma_start3A_59 = arith.constant 0 : i32
      %dma_start3A_60 = arith.constant 0 : i32
      %dma_start3A_61 = tpu.memref_slice %arg4[%add3A_58, %dma_start3A_59, %dma_start3A_60] : memref<4096x50x512xf32, #tpu.memory_space<hbm>> -> memref<1x50x512xf32, #tpu.memory_space<hbm>>
      %dma_start3A_62 = tpu.memref_squeeze %dma_start3A_61 : memref<1x50x512xf32, #tpu.memory_space<hbm>> -> memref<50x512xf32, #tpu.memory_space<hbm>>
      %dma_start3A_63 = arith.constant 0 : i32
      %dma_start3A_64 = arith.constant 0 : i32
      %dma_start3A_65 = tpu.memref_slice %arg4[%add3A_58, %dma_start3A_63, %dma_start3A_64] : memref<4096x50x512xf32, #tpu.memory_space<hbm>> -> memref<1x50x512xf32, #tpu.memory_space<hbm>>
      %dma_start3A_66 = tpu.memref_squeeze %dma_start3A_65 : memref<1x50x512xf32, #tpu.memory_space<hbm>> -> memref<50x512xf32, #tpu.memory_space<hbm>>
      tpu.enqueue_dma source(%arg8 : memref<50x512xf32, #tpu.memory_space<vmem>>) target(%dma_start3A_66 : memref<50x512xf32, #tpu.memory_space<hbm>>) target_semaphore(%arg12 : memref<!tpu.dma_semaphore, #tpu.memory_space<semaphore_mem>>)
      %add3A_67 = arith.constant 1 : i32
      %add3A_68 = arith.addi %mul3A_38, %add3A_67 : i32
      %dma_wait3A_69 = arith.constant 0 : i32
      %dma_wait3A_70 = arith.constant 0 : i32
      %dma_wait3A_71 = tpu.memref_slice %arg5[%dma_wait3A_69, %dma_wait3A_70] : memref<128x56xi32, #tpu.memory_space<vmem>> -> memref<1x56xi32, #tpu.memory_space<vmem>>
      %dma_wait3A_72 = tpu.memref_squeeze %dma_wait3A_71 : memref<1x56xi32, #tpu.memory_space<vmem>> -> memref<56xi32, #tpu.memory_space<vmem>>
      %dma_wait3A_73 = arith.constant 0 : i32
      %dma_wait3A_74 = arith.constant 0 : i32
      %dma_wait3A_75 = tpu.memref_slice %arg3[%dma_wait3A_73, %dma_wait3A_74] : memref<100000x512xf32, #tpu.memory_space<hbm>> -> memref<100000x512xf32, #tpu.memory_space<hbm>>
      tpu.wait_indirect_dma semaphore(%arg11 : memref<!tpu.dma_semaphore, #tpu.memory_space<semaphore_mem>>) src(%dma_wait3A_75 : memref<100000x512xf32, #tpu.memory_space<hbm>>) dst(%arg7 : memref<56x512xf32, #tpu.memory_space<vmem>>)
      %gt3A_76 = arith.constant 0 : i32
      %gt3A_77 = arith.cmpi sgt, %scan3A_36, %gt3A_76 : i32
      %convert_element_type3A_78 = arith.extui %gt3A_77 : i1 to i32
      %cond3A_79 = arith.constant 0 : i32
      %cond3A_80 = arith.cmpi ne, %convert_element_type3A_78, %cond3A_79 : i32
      scf.if %cond3A_80 {
        %dma_wait3A_101 = arith.constant 0 : i32
        %dma_wait3A_102 = arith.constant 0 : i32
        %dma_wait3A_103 = tpu.memref_slice %arg4[%mul3A_2, %dma_wait3A_101, %dma_wait3A_102] : memref<4096x50x512xf32, #tpu.memory_space<hbm>> -> memref<1x50x512xf32, #tpu.memory_space<hbm>>
        %dma_wait3A_104 = tpu.memref_squeeze %dma_wait3A_103 : memref<1x50x512xf32, #tpu.memory_space<hbm>> -> memref<50x512xf32, #tpu.memory_space<hbm>>
        %dma_wait3A_105 = arith.constant 0 : i32
        %dma_wait3A_106 = arith.constant 0 : i32
        %dma_wait3A_107 = tpu.memref_slice %arg4[%mul3A_2, %dma_wait3A_105, %dma_wait3A_106] : memref<4096x50x512xf32, #tpu.memory_space<hbm>> -> memref<1x50x512xf32, #tpu.memory_space<hbm>>
        %dma_wait3A_108 = tpu.memref_squeeze %dma_wait3A_107 : memref<1x50x512xf32, #tpu.memory_space<hbm>> -> memref<50x512xf32, #tpu.memory_space<hbm>>
        tpu.wait_dma2 semaphore(%arg13 : memref<!tpu.dma_semaphore, #tpu.memory_space<semaphore_mem>>) src(%arg9 : memref<50x512xf32, #tpu.memory_space<vmem>>) dst(%dma_wait3A_108 : memref<50x512xf32, #tpu.memory_space<hbm>>)
      } else {
      }
      %scan3A_81 = arith.constant 0 : i32
      %scan3A_82 = arith.constant 0 : i32
      %scan3A_83 = arith.constant 50 : i32
      %scan3A_84 = arith.addi %scan3A_82, %scan3A_83 : i32
      %scan3A_85 = arith.constant 1 : i32
      scf.for %scan3A_101 = %scan3A_82 to %scan3A_84 step %scan3A_85  : i32 {
        %get3A = arith.index_cast %scan3A_101 : i32 to index
        %get3A_102 = arith.constant 0 : index
        %get3A_103 = tpu.vector_load %arg7[%get3A, %get3A_102] {strides = array<i32>} : memref<56x512xf32, #tpu.memory_space<vmem>>, vector<1x16xf32>,
        %get3A_104 = vector.shape_cast %get3A_103 : vector<1x16xf32> to vector<16xf32>
        %mul3A_105 = arith.constant 22.6274166 : f32
        %mul3A_106 = vector.broadcast %mul3A_105 : f32 to vector<16xf32>
        %mul3A_107 = arith.mulf %get3A_104, %mul3A_106 : vector<16xf32>
        %swap3A = arith.index_cast %scan3A_101 : i32 to index
        %swap3A_108 = arith.constant 0 : index
        %swap3A_109 = tpu.vector_load %arg9[%swap3A, %swap3A_108] {strides = array<i32>} : memref<50x512xf32, #tpu.memory_space<vmem>>, vector<1x16xf32>,
        %swap3A_110 = vector.shape_cast %swap3A_109 : vector<1x16xf32> to vector<16xf32>
        %swap3A_111 = vector.shape_cast %mul3A_107 : vector<16xf32> to vector<1x16xf32>
        tpu.vector_store %arg9[%swap3A, %swap3A_108], %swap3A_111 {strides = array<i32>} : memref<50x512xf32, #tpu.memory_space<vmem>>, vector<1x16xf32>,
        %get3A_112 = arith.index_cast %scan3A_101 : i32 to index
        %get3A_113 = arith.constant 16 : index
        %get3A_114 = tpu.vector_load %arg7[%get3A_112, %get3A_113] {strides = array<i32>} : memref<56x512xf32, #tpu.memory_space<vmem>>, vector<1x16xf32>,
        %get3A_115 = vector.shape_cast %get3A_114 : vector<1x16xf32> to vector<16xf32>
        %mul3A_116 = arith.constant 22.6274166 : f32
        %mul3A_117 = vector.broadcast %mul3A_116 : f32 to vector<16xf32>
        %mul3A_118 = arith.mulf %get3A_115, %mul3A_117 : vector<16xf32>
        %swap3A_119 = arith.index_cast %scan3A_101 : i32 to index
        %swap3A_120 = arith.constant 16 : index
        %swap3A_121 = tpu.vector_load %arg9[%swap3A_119, %swap3A_120] {strides = array<i32>} : memref<50x512xf32, #tpu.memory_space<vmem>>, vector<1x16xf32>,
        %swap3A_122 = vector.shape_cast %swap3A_121 : vector<1x16xf32> to vector<16xf32>
        %swap3A_123 = vector.shape_cast %mul3A_118 : vector<16xf32> to vector<1x16xf32>
        tpu.vector_store %arg9[%swap3A_119, %swap3A_120], %swap3A_123 {strides = array<i32>} : memref<50x512xf32, #tpu.memory_space<vmem>>, vector<1x16xf32>,
        %get3A_124 = arith.index_cast %scan3A_101 : i32 to index
        %get3A_125 = arith.constant 32 : index
        %get3A_126 = tpu.vector_load %arg7[%get3A_124, %get3A_125] {strides = array<i32>} : memref<56x512xf32, #tpu.memory_space<vmem>>, vector<1x16xf32>,
        %get3A_127 = vector.shape_cast %get3A_126 : vector<1x16xf32> to vector<16xf32>
        %mul3A_128 = arith.constant 22.6274166 : f32
        %mul3A_129 = vector.broadcast %mul3A_128 : f32 to vector<16xf32>
        %mul3A_130 = arith.mulf %get3A_127, %mul3A_129 : vector<16xf32>
        %swap3A_131 = arith.index_cast %scan3A_101 : i32 to index
        %swap3A_132 = arith.constant 32 : index
        %swap3A_133 = tpu.vector_load %arg9[%swap3A_131, %swap3A_132] {strides = array<i32>} : memref<50x512xf32, #tpu.memory_space<vmem>>, vector<1x16xf32>,
        %swap3A_134 = vector.shape_cast %swap3A_133 : vector<1x16xf32> to vector<16xf32>
        %swap3A_135 = vector.shape_cast %mul3A_130 : vector<16xf32> to vector<1x16xf32>
        tpu.vector_store %arg9[%swap3A_131, %swap3A_132], %swap3A_135 {strides = array<i32>} : memref<50x512xf32, #tpu.memory_space<vmem>>, vector<1x16xf32>,
        %get3A_136 = arith.index_cast %scan3A_101 : i32 to index
        %get3A_137 = arith.constant 48 : index
        %get3A_138 = tpu.vector_load %arg7[%get3A_136, %get3A_137] {strides = array<i32>} : memref<56x512xf32, #tpu.memory_space<vmem>>, vector<1x16xf32>,
        %get3A_139 = vector.shape_cast %get3A_138 : vector<1x16xf32> to vector<16xf32>
        %mul3A_140 = arith.constant 22.6274166 : f32
        %mul3A_141 = vector.broadcast %mul3A_140 : f32 to vector<16xf32>
        %mul3A_142 = arith.mulf %get3A_139, %mul3A_141 : vector<16xf32>
        %swap3A_143 = arith.index_cast %scan3A_101 : i32 to index
        %swap3A_144 = arith.constant 48 : index
        %swap3A_145 = tpu.vector_load %arg9[%swap3A_143, %swap3A_144] {strides = array<i32>} : memref<50x512xf32, #tpu.memory_space<vmem>>, vector<1x16xf32>,
        %swap3A_146 = vector.shape_cast %swap3A_145 : vector<1x16xf32> to vector<16xf32>
        %swap3A_147 = vector.shape_cast %mul3A_142 : vector<16xf32> to vector<1x16xf32>
        tpu.vector_store %arg9[%swap3A_143, %swap3A_144], %swap3A_147 {strides = array<i32>} : memref<50x512xf32, #tpu.memory_space<vmem>>, vector<1x16xf32>,
        %get3A_148 = arith.index_cast %scan3A_101 : i32 to index
        %get3A_149 = arith.constant 64 : index
        %get3A_150 = tpu.vector_load %arg7[%get3A_148, %get3A_149] {strides = array<i32>} : memref<56x512xf32, #tpu.memory_space<vmem>>, vector<1x16xf32>,
        %get3A_151 = vector.shape_cast %get3A_150 : vector<1x16xf32> to vector<16xf32>
        %mul3A_152 = arith.constant 22.6274166 : f32
        %mul3A_153 = vector.broadcast %mul3A_152 : f32 to vector<16xf32>
        %mul3A_154 = arith.mulf %get3A_151, %mul3A_153 : vector<16xf32>
        %swap3A_155 = arith.index_cast %scan3A_101 : i32 to index
        %swap3A_156 = arith.constant 64 : index
        %swap3A_157 = tpu.vector_load %arg9[%swap3A_155, %swap3A_156] {strides = array<i32>} : memref<50x512xf32, #tpu.memory_space<vmem>>, vector<1x16xf32>,
        %swap3A_158 = vector.shape_cast %swap3A_157 : vector<1x16xf32> to vector<16xf32>
        %swap3A_159 = vector.shape_cast %mul3A_154 : vector<16xf32> to vector<1x16xf32>
        tpu.vector_store %arg9[%swap3A_155, %swap3A_156], %swap3A_159 {strides = array<i32>} : memref<50x512xf32, #tpu.memory_space<vmem>>, vector<1x16xf32>,
        %get3A_160 = arith.index_cast %scan3A_101 : i32 to index
        %get3A_161 = arith.constant 80 : index
        %get3A_162 = tpu.vector_load %arg7[%get3A_160, %get3A_161] {strides = array<i32>} : memref<56x512xf32, #tpu.memory_space<vmem>>, vector<1x16xf32>,
        %get3A_163 = vector.shape_cast %get3A_162 : vector<1x16xf32> to vector<16xf32>
        %mul3A_164 = arith.constant 22.6274166 : f32
        %mul3A_165 = vector.broadcast %mul3A_164 : f32 to vector<16xf32>
        %mul3A_166 = arith.mulf %get3A_163, %mul3A_165 : vector<16xf32>
        %swap3A_167 = arith.index_cast %scan3A_101 : i32 to index
        %swap3A_168 = arith.constant 80 : index
        %swap3A_169 = tpu.vector_load %arg9[%swap3A_167, %swap3A_168] {strides = array<i32>} : memref<50x512xf32, #tpu.memory_space<vmem>>, vector<1x16xf32>,
        %swap3A_170 = vector.shape_cast %swap3A_169 : vector<1x16xf32> to vector<16xf32>
        %swap3A_171 = vector.shape_cast %mul3A_166 : vector<16xf32> to vector<1x16xf32>
        tpu.vector_store %arg9[%swap3A_167, %swap3A_168], %swap3A_171 {strides = array<i32>} : memref<50x512xf32, #tpu.memory_space<vmem>>, vector<1x16xf32>,
        %get3A_172 = arith.index_cast %scan3A_101 : i32 to index
        %get3A_173 = arith.constant 96 : index
        %get3A_174 = tpu.vector_load %arg7[%get3A_172, %get3A_173] {strides = array<i32>} : memref<56x512xf32, #tpu.memory_space<vmem>>, vector<1x16xf32>,
        %get3A_175 = vector.shape_cast %get3A_174 : vector<1x16xf32> to vector<16xf32>
        %mul3A_176 = arith.constant 22.6274166 : f32
        %mul3A_177 = vector.broadcast %mul3A_176 : f32 to vector<16xf32>
        %mul3A_178 = arith.mulf %get3A_175, %mul3A_177 : vector<16xf32>
        %swap3A_179 = arith.index_cast %scan3A_101 : i32 to index
        %swap3A_180 = arith.constant 96 : index
        %swap3A_181 = tpu.vector_load %arg9[%swap3A_179, %swap3A_180] {strides = array<i32>} : memref<50x512xf32, #tpu.memory_space<vmem>>, vector<1x16xf32>,
        %swap3A_182 = vector.shape_cast %swap3A_181 : vector<1x16xf32> to vector<16xf32>
        %swap3A_183 = vector.shape_cast %mul3A_178 : vector<16xf32> to vector<1x16xf32>
        tpu.vector_store %arg9[%swap3A_179, %swap3A_180], %swap3A_183 {strides = array<i32>} : memref<50x512xf32, #tpu.memory_space<vmem>>, vector<1x16xf32>,
        %get3A_184 = arith.index_cast %scan3A_101 : i32 to index
        %get3A_185 = arith.constant 112 : index
        %get3A_186 = tpu.vector_load %arg7[%get3A_184, %get3A_185] {strides = array<i32>} : memref<56x512xf32, #tpu.memory_space<vmem>>, vector<1x16xf32>,
        %get3A_187 = vector.shape_cast %get3A_186 : vector<1x16xf32> to vector<16xf32>
        %mul3A_188 = arith.constant 22.6274166 : f32
        %mul3A_189 = vector.broadcast %mul3A_188 : f32 to vector<16xf32>
        %mul3A_190 = arith.mulf %get3A_187, %mul3A_189 : vector<16xf32>
        %swap3A_191 = arith.index_cast %scan3A_101 : i32 to index
        %swap3A_192 = arith.constant 112 : index
        %swap3A_193 = tpu.vector_load %arg9[%swap3A_191, %swap3A_192] {strides = array<i32>} : memref<50x512xf32, #tpu.memory_space<vmem>>, vector<1x16xf32>,
        %swap3A_194 = vector.shape_cast %swap3A_193 : vector<1x16xf32> to vector<16xf32>
        %swap3A_195 = vector.shape_cast %mul3A_190 : vector<16xf32> to vector<1x16xf32>
        tpu.vector_store %arg9[%swap3A_191, %swap3A_192], %swap3A_195 {strides = array<i32>} : memref<50x512xf32, #tpu.memory_space<vmem>>, vector<1x16xf32>,
        %get3A_196 = arith.index_cast %scan3A_101 : i32 to index
        %get3A_197 = arith.constant 128 : index
        %get3A_198 = tpu.vector_load %arg7[%get3A_196, %get3A_197] {strides = array<i32>} : memref<56x512xf32, #tpu.memory_space<vmem>>, vector<1x16xf32>,
        %get3A_199 = vector.shape_cast %get3A_198 : vector<1x16xf32> to vector<16xf32>
        %mul3A_200 = arith.constant 22.6274166 : f32
        %mul3A_201 = vector.broadcast %mul3A_200 : f32 to vector<16xf32>
        %mul3A_202 = arith.mulf %get3A_199, %mul3A_201 : vector<16xf32>
        %swap3A_203 = arith.index_cast %scan3A_101 : i32 to index
        %swap3A_204 = arith.constant 128 : index
        %swap3A_205 = tpu.vector_load %arg9[%swap3A_203, %swap3A_204] {strides = array<i32>} : memref<50x512xf32, #tpu.memory_space<vmem>>, vector<1x16xf32>,
        %swap3A_206 = vector.shape_cast %swap3A_205 : vector<1x16xf32> to vector<16xf32>
        %swap3A_207 = vector.shape_cast %mul3A_202 : vector<16xf32> to vector<1x16xf32>
        tpu.vector_store %arg9[%swap3A_203, %swap3A_204], %swap3A_207 {strides = array<i32>} : memref<50x512xf32, #tpu.memory_space<vmem>>, vector<1x16xf32>,
        %get3A_208 = arith.index_cast %scan3A_101 : i32 to index
        %get3A_209 = arith.constant 144 : index
        %get3A_210 = tpu.vector_load %arg7[%get3A_208, %get3A_209] {strides = array<i32>} : memref<56x512xf32, #tpu.memory_space<vmem>>, vector<1x16xf32>,
        %get3A_211 = vector.shape_cast %get3A_210 : vector<1x16xf32> to vector<16xf32>
        %mul3A_212 = arith.constant 22.6274166 : f32
        %mul3A_213 = vector.broadcast %mul3A_212 : f32 to vector<16xf32>
        %mul3A_214 = arith.mulf %get3A_211, %mul3A_213 : vector<16xf32>
        %swap3A_215 = arith.index_cast %scan3A_101 : i32 to index
        %swap3A_216 = arith.constant 144 : index
        %swap3A_217 = tpu.vector_load %arg9[%swap3A_215, %swap3A_216] {strides = array<i32>} : memref<50x512xf32, #tpu.memory_space<vmem>>, vector<1x16xf32>,
        %swap3A_218 = vector.shape_cast %swap3A_217 : vector<1x16xf32> to vector<16xf32>
        %swap3A_219 = vector.shape_cast %mul3A_214 : vector<16xf32> to vector<1x16xf32>
        tpu.vector_store %arg9[%swap3A_215, %swap3A_216], %swap3A_219 {strides = array<i32>} : memref<50x512xf32, #tpu.memory_space<vmem>>, vector<1x16xf32>,
        %get3A_220 = arith.index_cast %scan3A_101 : i32 to index
        %get3A_221 = arith.constant 160 : index
        %get3A_222 = tpu.vector_load %arg7[%get3A_220, %get3A_221] {strides = array<i32>} : memref<56x512xf32, #tpu.memory_space<vmem>>, vector<1x16xf32>,
        %get3A_223 = vector.shape_cast %get3A_222 : vector<1x16xf32> to vector<16xf32>
        %mul3A_224 = arith.constant 22.6274166 : f32
        %mul3A_225 = vector.broadcast %mul3A_224 : f32 to vector<16xf32>
        %mul3A_226 = arith.mulf %get3A_223, %mul3A_225 : vector<16xf32>
        %swap3A_227 = arith.index_cast %scan3A_101 : i32 to index
        %swap3A_228 = arith.constant 160 : index
        %swap3A_229 = tpu.vector_load %arg9[%swap3A_227, %swap3A_228] {strides = array<i32>} : memref<50x512xf32, #tpu.memory_space<vmem>>, vector<1x16xf32>,
        %swap3A_230 = vector.shape_cast %swap3A_229 : vector<1x16xf32> to vector<16xf32>
        %swap3A_231 = vector.shape_cast %mul3A_226 : vector<16xf32> to vector<1x16xf32>
        tpu.vector_store %arg9[%swap3A_227, %swap3A_228], %swap3A_231 {strides = array<i32>} : memref<50x512xf32, #tpu.memory_space<vmem>>, vector<1x16xf32>,
        %get3A_232 = arith.index_cast %scan3A_101 : i32 to index
        %get3A_233 = arith.constant 176 : index
        %get3A_234 = tpu.vector_load %arg7[%get3A_232, %get3A_233] {strides = array<i32>} : memref<56x512xf32, #tpu.memory_space<vmem>>, vector<1x16xf32>,
        %get3A_235 = vector.shape_cast %get3A_234 : vector<1x16xf32> to vector<16xf32>
        %mul3A_236 = arith.constant 22.6274166 : f32
        %mul3A_237 = vector.broadcast %mul3A_236 : f32 to vector<16xf32>
        %mul3A_238 = arith.mulf %get3A_235, %mul3A_237 : vector<16xf32>
        %swap3A_239 = arith.index_cast %scan3A_101 : i32 to index
        %swap3A_240 = arith.constant 176 : index
        %swap3A_241 = tpu.vector_load %arg9[%swap3A_239, %swap3A_240] {strides = array<i32>} : memref<50x512xf32, #tpu.memory_space<vmem>>, vector<1x16xf32>,
        %swap3A_242 = vector.shape_cast %swap3A_241 : vector<1x16xf32> to vector<16xf32>
        %swap3A_243 = vector.shape_cast %mul3A_238 : vector<16xf32> to vector<1x16xf32>
        tpu.vector_store %arg9[%swap3A_239, %swap3A_240], %swap3A_243 {strides = array<i32>} : memref<50x512xf32, #tpu.memory_space<vmem>>, vector<1x16xf32>,
        %get3A_244 = arith.index_cast %scan3A_101 : i32 to index
        %get3A_245 = arith.constant 192 : index
        %get3A_246 = tpu.vector_load %arg7[%get3A_244, %get3A_245] {strides = array<i32>} : memref<56x512xf32, #tpu.memory_space<vmem>>, vector<1x16xf32>,
        %get3A_247 = vector.shape_cast %get3A_246 : vector<1x16xf32> to vector<16xf32>
        %mul3A_248 = arith.constant 22.6274166 : f32
        %mul3A_249 = vector.broadcast %mul3A_248 : f32 to vector<16xf32>
        %mul3A_250 = arith.mulf %get3A_247, %mul3A_249 : vector<16xf32>
        %swap3A_251 = arith.index_cast %scan3A_101 : i32 to index
        %swap3A_252 = arith.constant 192 : index
        %swap3A_253 = tpu.vector_load %arg9[%swap3A_251, %swap3A_252] {strides = array<i32>} : memref<50x512xf32, #tpu.memory_space<vmem>>, vector<1x16xf32>,
        %swap3A_254 = vector.shape_cast %swap3A_253 : vector<1x16xf32> to vector<16xf32>
        %swap3A_255 = vector.shape_cast %mul3A_250 : vector<16xf32> to vector<1x16xf32>
        tpu.vector_store %arg9[%swap3A_251, %swap3A_252], %swap3A_255 {strides = array<i32>} : memref<50x512xf32, #tpu.memory_space<vmem>>, vector<1x16xf32>,
        %get3A_256 = arith.index_cast %scan3A_101 : i32 to index
        %get3A_257 = arith.constant 208 : index
        %get3A_258 = tpu.vector_load %arg7[%get3A_256, %get3A_257] {strides = array<i32>} : memref<56x512xf32, #tpu.memory_space<vmem>>, vector<1x16xf32>,
        %get3A_259 = vector.shape_cast %get3A_258 : vector<1x16xf32> to vector<16xf32>
        %mul3A_260 = arith.constant 22.6274166 : f32
        %mul3A_261 = vector.broadcast %mul3A_260 : f32 to vector<16xf32>
        %mul3A_262 = arith.mulf %get3A_259, %mul3A_261 : vector<16xf32>
        %swap3A_263 = arith.index_cast %scan3A_101 : i32 to index
        %swap3A_264 = arith.constant 208 : index
        %swap3A_265 = tpu.vector_load %arg9[%swap3A_263, %swap3A_264] {strides = array<i32>} : memref<50x512xf32, #tpu.memory_space<vmem>>, vector<1x16xf32>,
        %swap3A_266 = vector.shape_cast %swap3A_265 : vector<1x16xf32> to vector<16xf32>
        %swap3A_267 = vector.shape_cast %mul3A_262 : vector<16xf32> to vector<1x16xf32>
        tpu.vector_store %arg9[%swap3A_263, %swap3A_264], %swap3A_267 {strides = array<i32>} : memref<50x512xf32, #tpu.memory_space<vmem>>, vector<1x16xf32>,
        %get3A_268 = arith.index_cast %scan3A_101 : i32 to index
        %get3A_269 = arith.constant 224 : index
        %get3A_270 = tpu.vector_load %arg7[%get3A_268, %get3A_269] {strides = array<i32>} : memref<56x512xf32, #tpu.memory_space<vmem>>, vector<1x16xf32>,
        %get3A_271 = vector.shape_cast %get3A_270 : vector<1x16xf32> to vector<16xf32>
        %mul3A_272 = arith.constant 22.6274166 : f32
        %mul3A_273 = vector.broadcast %mul3A_272 : f32 to vector<16xf32>
        %mul3A_274 = arith.mulf %get3A_271, %mul3A_273 : vector<16xf32>
        %swap3A_275 = arith.index_cast %scan3A_101 : i32 to index
        %swap3A_276 = arith.constant 224 : index
        %swap3A_277 = tpu.vector_load %arg9[%swap3A_275, %swap3A_276] {strides = array<i32>} : memref<50x512xf32, #tpu.memory_space<vmem>>, vector<1x16xf32>,
        %swap3A_278 = vector.shape_cast %swap3A_277 : vector<1x16xf32> to vector<16xf32>
        %swap3A_279 = vector.shape_cast %mul3A_274 : vector<16xf32> to vector<1x16xf32>
        tpu.vector_store %arg9[%swap3A_275, %swap3A_276], %swap3A_279 {strides = array<i32>} : memref<50x512xf32, #tpu.memory_space<vmem>>, vector<1x16xf32>,
        %get3A_280 = arith.index_cast %scan3A_101 : i32 to index
        %get3A_281 = arith.constant 240 : index
        %get3A_282 = tpu.vector_load %arg7[%get3A_280, %get3A_281] {strides = array<i32>} : memref<56x512xf32, #tpu.memory_space<vmem>>, vector<1x16xf32>,
        %get3A_283 = vector.shape_cast %get3A_282 : vector<1x16xf32> to vector<16xf32>
        %mul3A_284 = arith.constant 22.6274166 : f32
        %mul3A_285 = vector.broadcast %mul3A_284 : f32 to vector<16xf32>
        %mul3A_286 = arith.mulf %get3A_283, %mul3A_285 : vector<16xf32>
        %swap3A_287 = arith.index_cast %scan3A_101 : i32 to index
        %swap3A_288 = arith.constant 240 : index
        %swap3A_289 = tpu.vector_load %arg9[%swap3A_287, %swap3A_288] {strides = array<i32>} : memref<50x512xf32, #tpu.memory_space<vmem>>, vector<1x16xf32>,
        %swap3A_290 = vector.shape_cast %swap3A_289 : vector<1x16xf32> to vector<16xf32>
        %swap3A_291 = vector.shape_cast %mul3A_286 : vector<16xf32> to vector<1x16xf32>
        tpu.vector_store %arg9[%swap3A_287, %swap3A_288], %swap3A_291 {strides = array<i32>} : memref<50x512xf32, #tpu.memory_space<vmem>>, vector<1x16xf32>,
        %get3A_292 = arith.index_cast %scan3A_101 : i32 to index
        %get3A_293 = arith.constant 256 : index
        %get3A_294 = tpu.vector_load %arg7[%get3A_292, %get3A_293] {strides = array<i32>} : memref<56x512xf32, #tpu.memory_space<vmem>>, vector<1x16xf32>,
        %get3A_295 = vector.shape_cast %get3A_294 : vector<1x16xf32> to vector<16xf32>
        %mul3A_296 = arith.constant 22.6274166 : f32
        %mul3A_297 = vector.broadcast %mul3A_296 : f32 to vector<16xf32>
        %mul3A_298 = arith.mulf %get3A_295, %mul3A_297 : vector<16xf32>
        %swap3A_299 = arith.index_cast %scan3A_101 : i32 to index
        %swap3A_300 = arith.constant 256 : index
        %swap3A_301 = tpu.vector_load %arg9[%swap3A_299, %swap3A_300] {strides = array<i32>} : memref<50x512xf32, #tpu.memory_space<vmem>>, vector<1x16xf32>,
        %swap3A_302 = vector.shape_cast %swap3A_301 : vector<1x16xf32> to vector<16xf32>
        %swap3A_303 = vector.shape_cast %mul3A_298 : vector<16xf32> to vector<1x16xf32>
        tpu.vector_store %arg9[%swap3A_299, %swap3A_300], %swap3A_303 {strides = array<i32>} : memref<50x512xf32, #tpu.memory_space<vmem>>, vector<1x16xf32>,
        %get3A_304 = arith.index_cast %scan3A_101 : i32 to index
        %get3A_305 = arith.constant 272 : index
        %get3A_306 = tpu.vector_load %arg7[%get3A_304, %get3A_305] {strides = array<i32>} : memref<56x512xf32, #tpu.memory_space<vmem>>, vector<1x16xf32>,
        %get3A_307 = vector.shape_cast %get3A_306 : vector<1x16xf32> to vector<16xf32>
        %mul3A_308 = arith.constant 22.6274166 : f32
        %mul3A_309 = vector.broadcast %mul3A_308 : f32 to vector<16xf32>
        %mul3A_310 = arith.mulf %get3A_307, %mul3A_309 : vector<16xf32>
        %swap3A_311 = arith.index_cast %scan3A_101 : i32 to index
        %swap3A_312 = arith.constant 272 : index
        %swap3A_313 = tpu.vector_load %arg9[%swap3A_311, %swap3A_312] {strides = array<i32>} : memref<50x512xf32, #tpu.memory_space<vmem>>, vector<1x16xf32>,
        %swap3A_314 = vector.shape_cast %swap3A_313 : vector<1x16xf32> to vector<16xf32>
        %swap3A_315 = vector.shape_cast %mul3A_310 : vector<16xf32> to vector<1x16xf32>
        tpu.vector_store %arg9[%swap3A_311, %swap3A_312], %swap3A_315 {strides = array<i32>} : memref<50x512xf32, #tpu.memory_space<vmem>>, vector<1x16xf32>,
        %get3A_316 = arith.index_cast %scan3A_101 : i32 to index
        %get3A_317 = arith.constant 288 : index
        %get3A_318 = tpu.vector_load %arg7[%get3A_316, %get3A_317] {strides = array<i32>} : memref<56x512xf32, #tpu.memory_space<vmem>>, vector<1x16xf32>,
        %get3A_319 = vector.shape_cast %get3A_318 : vector<1x16xf32> to vector<16xf32>
        %mul3A_320 = arith.constant 22.6274166 : f32
        %mul3A_321 = vector.broadcast %mul3A_320 : f32 to vector<16xf32>
        %mul3A_322 = arith.mulf %get3A_319, %mul3A_321 : vector<16xf32>
        %swap3A_323 = arith.index_cast %scan3A_101 : i32 to index
        %swap3A_324 = arith.constant 288 : index
        %swap3A_325 = tpu.vector_load %arg9[%swap3A_323, %swap3A_324] {strides = array<i32>} : memref<50x512xf32, #tpu.memory_space<vmem>>, vector<1x16xf32>,
        %swap3A_326 = vector.shape_cast %swap3A_325 : vector<1x16xf32> to vector<16xf32>
        %swap3A_327 = vector.shape_cast %mul3A_322 : vector<16xf32> to vector<1x16xf32>
        tpu.vector_store %arg9[%swap3A_323, %swap3A_324], %swap3A_327 {strides = array<i32>} : memref<50x512xf32, #tpu.memory_space<vmem>>, vector<1x16xf32>,
        %get3A_328 = arith.index_cast %scan3A_101 : i32 to index
        %get3A_329 = arith.constant 304 : index
        %get3A_330 = tpu.vector_load %arg7[%get3A_328, %get3A_329] {strides = array<i32>} : memref<56x512xf32, #tpu.memory_space<vmem>>, vector<1x16xf32>,
        %get3A_331 = vector.shape_cast %get3A_330 : vector<1x16xf32> to vector<16xf32>
        %mul3A_332 = arith.constant 22.6274166 : f32
        %mul3A_333 = vector.broadcast %mul3A_332 : f32 to vector<16xf32>
        %mul3A_334 = arith.mulf %get3A_331, %mul3A_333 : vector<16xf32>
        %swap3A_335 = arith.index_cast %scan3A_101 : i32 to index
        %swap3A_336 = arith.constant 304 : index
        %swap3A_337 = tpu.vector_load %arg9[%swap3A_335, %swap3A_336] {strides = array<i32>} : memref<50x512xf32, #tpu.memory_space<vmem>>, vector<1x16xf32>,
        %swap3A_338 = vector.shape_cast %swap3A_337 : vector<1x16xf32> to vector<16xf32>
        %swap3A_339 = vector.shape_cast %mul3A_334 : vector<16xf32> to vector<1x16xf32>
        tpu.vector_store %arg9[%swap3A_335, %swap3A_336], %swap3A_339 {strides = array<i32>} : memref<50x512xf32, #tpu.memory_space<vmem>>, vector<1x16xf32>,
        %get3A_340 = arith.index_cast %scan3A_101 : i32 to index
        %get3A_341 = arith.constant 320 : index
        %get3A_342 = tpu.vector_load %arg7[%get3A_340, %get3A_341] {strides = array<i32>} : memref<56x512xf32, #tpu.memory_space<vmem>>, vector<1x16xf32>,
        %get3A_343 = vector.shape_cast %get3A_342 : vector<1x16xf32> to vector<16xf32>
        %mul3A_344 = arith.constant 22.6274166 : f32
        %mul3A_345 = vector.broadcast %mul3A_344 : f32 to vector<16xf32>
        %mul3A_346 = arith.mulf %get3A_343, %mul3A_345 : vector<16xf32>
        %swap3A_347 = arith.index_cast %scan3A_101 : i32 to index
        %swap3A_348 = arith.constant 320 : index
        %swap3A_349 = tpu.vector_load %arg9[%swap3A_347, %swap3A_348] {strides = array<i32>} : memref<50x512xf32, #tpu.memory_space<vmem>>, vector<1x16xf32>,
        %swap3A_350 = vector.shape_cast %swap3A_349 : vector<1x16xf32> to vector<16xf32>
        %swap3A_351 = vector.shape_cast %mul3A_346 : vector<16xf32> to vector<1x16xf32>
        tpu.vector_store %arg9[%swap3A_347, %swap3A_348], %swap3A_351 {strides = array<i32>} : memref<50x512xf32, #tpu.memory_space<vmem>>, vector<1x16xf32>,
        %get3A_352 = arith.index_cast %scan3A_101 : i32 to index
        %get3A_353 = arith.constant 336 : index
        %get3A_354 = tpu.vector_load %arg7[%get3A_352, %get3A_353] {strides = array<i32>} : memref<56x512xf32, #tpu.memory_space<vmem>>, vector<1x16xf32>,
        %get3A_355 = vector.shape_cast %get3A_354 : vector<1x16xf32> to vector<16xf32>
        %mul3A_356 = arith.constant 22.6274166 : f32
        %mul3A_357 = vector.broadcast %mul3A_356 : f32 to vector<16xf32>
        %mul3A_358 = arith.mulf %get3A_355, %mul3A_357 : vector<16xf32>
        %swap3A_359 = arith.index_cast %scan3A_101 : i32 to index
        %swap3A_360 = arith.constant 336 : index
        %swap3A_361 = tpu.vector_load %arg9[%swap3A_359, %swap3A_360] {strides = array<i32>} : memref<50x512xf32, #tpu.memory_space<vmem>>, vector<1x16xf32>,
        %swap3A_362 = vector.shape_cast %swap3A_361 : vector<1x16xf32> to vector<16xf32>
        %swap3A_363 = vector.shape_cast %mul3A_358 : vector<16xf32> to vector<1x16xf32>
        tpu.vector_store %arg9[%swap3A_359, %swap3A_360], %swap3A_363 {strides = array<i32>} : memref<50x512xf32, #tpu.memory_space<vmem>>, vector<1x16xf32>,
        %get3A_364 = arith.index_cast %scan3A_101 : i32 to index
        %get3A_365 = arith.constant 352 : index
        %get3A_366 = tpu.vector_load %arg7[%get3A_364, %get3A_365] {strides = array<i32>} : memref<56x512xf32, #tpu.memory_space<vmem>>, vector<1x16xf32>,
        %get3A_367 = vector.shape_cast %get3A_366 : vector<1x16xf32> to vector<16xf32>
        %mul3A_368 = arith.constant 22.6274166 : f32
        %mul3A_369 = vector.broadcast %mul3A_368 : f32 to vector<16xf32>
        %mul3A_370 = arith.mulf %get3A_367, %mul3A_369 : vector<16xf32>
        %swap3A_371 = arith.index_cast %scan3A_101 : i32 to index
        %swap3A_372 = arith.constant 352 : index
        %swap3A_373 = tpu.vector_load %arg9[%swap3A_371, %swap3A_372] {strides = array<i32>} : memref<50x512xf32, #tpu.memory_space<vmem>>, vector<1x16xf32>,
        %swap3A_374 = vector.shape_cast %swap3A_373 : vector<1x16xf32> to vector<16xf32>
        %swap3A_375 = vector.shape_cast %mul3A_370 : vector<16xf32> to vector<1x16xf32>
        tpu.vector_store %arg9[%swap3A_371, %swap3A_372], %swap3A_375 {strides = array<i32>} : memref<50x512xf32, #tpu.memory_space<vmem>>, vector<1x16xf32>,
        %get3A_376 = arith.index_cast %scan3A_101 : i32 to index
        %get3A_377 = arith.constant 368 : index
        %get3A_378 = tpu.vector_load %arg7[%get3A_376, %get3A_377] {strides = array<i32>} : memref<56x512xf32, #tpu.memory_space<vmem>>, vector<1x16xf32>,
        %get3A_379 = vector.shape_cast %get3A_378 : vector<1x16xf32> to vector<16xf32>
        %mul3A_380 = arith.constant 22.6274166 : f32
        %mul3A_381 = vector.broadcast %mul3A_380 : f32 to vector<16xf32>
        %mul3A_382 = arith.mulf %get3A_379, %mul3A_381 : vector<16xf32>
        %swap3A_383 = arith.index_cast %scan3A_101 : i32 to index
        %swap3A_384 = arith.constant 368 : index
        %swap3A_385 = tpu.vector_load %arg9[%swap3A_383, %swap3A_384] {strides = array<i32>} : memref<50x512xf32, #tpu.memory_space<vmem>>, vector<1x16xf32>,
        %swap3A_386 = vector.shape_cast %swap3A_385 : vector<1x16xf32> to vector<16xf32>
        %swap3A_387 = vector.shape_cast %mul3A_382 : vector<16xf32> to vector<1x16xf32>
        tpu.vector_store %arg9[%swap3A_383, %swap3A_384], %swap3A_387 {strides = array<i32>} : memref<50x512xf32, #tpu.memory_space<vmem>>, vector<1x16xf32>,
        %get3A_388 = arith.index_cast %scan3A_101 : i32 to index
        %get3A_389 = arith.constant 384 : index
        %get3A_390 = tpu.vector_load %arg7[%get3A_388, %get3A_389] {strides = array<i32>} : memref<56x512xf32, #tpu.memory_space<vmem>>, vector<1x16xf32>,
        %get3A_391 = vector.shape_cast %get3A_390 : vector<1x16xf32> to vector<16xf32>
        %mul3A_392 = arith.constant 22.6274166 : f32
        %mul3A_393 = vector.broadcast %mul3A_392 : f32 to vector<16xf32>
        %mul3A_394 = arith.mulf %get3A_391, %mul3A_393 : vector<16xf32>
        %swap3A_395 = arith.index_cast %scan3A_101 : i32 to index
        %swap3A_396 = arith.constant 384 : index
        %swap3A_397 = tpu.vector_load %arg9[%swap3A_395, %swap3A_396] {strides = array<i32>} : memref<50x512xf32, #tpu.memory_space<vmem>>, vector<1x16xf32>,
        %swap3A_398 = vector.shape_cast %swap3A_397 : vector<1x16xf32> to vector<16xf32>
        %swap3A_399 = vector.shape_cast %mul3A_394 : vector<16xf32> to vector<1x16xf32>
        tpu.vector_store %arg9[%swap3A_395, %swap3A_396], %swap3A_399 {strides = array<i32>} : memref<50x512xf32, #tpu.memory_space<vmem>>, vector<1x16xf32>,
        %get3A_400 = arith.index_cast %scan3A_101 : i32 to index
        %get3A_401 = arith.constant 400 : index
        %get3A_402 = tpu.vector_load %arg7[%get3A_400, %get3A_401] {strides = array<i32>} : memref<56x512xf32, #tpu.memory_space<vmem>>, vector<1x16xf32>,
        %get3A_403 = vector.shape_cast %get3A_402 : vector<1x16xf32> to vector<16xf32>
        %mul3A_404 = arith.constant 22.6274166 : f32
        %mul3A_405 = vector.broadcast %mul3A_404 : f32 to vector<16xf32>
        %mul3A_406 = arith.mulf %get3A_403, %mul3A_405 : vector<16xf32>
        %swap3A_407 = arith.index_cast %scan3A_101 : i32 to index
        %swap3A_408 = arith.constant 400 : index
        %swap3A_409 = tpu.vector_load %arg9[%swap3A_407, %swap3A_408] {strides = array<i32>} : memref<50x512xf32, #tpu.memory_space<vmem>>, vector<1x16xf32>,
        %swap3A_410 = vector.shape_cast %swap3A_409 : vector<1x16xf32> to vector<16xf32>
        %swap3A_411 = vector.shape_cast %mul3A_406 : vector<16xf32> to vector<1x16xf32>
        tpu.vector_store %arg9[%swap3A_407, %swap3A_408], %swap3A_411 {strides = array<i32>} : memref<50x512xf32, #tpu.memory_space<vmem>>, vector<1x16xf32>,
        %get3A_412 = arith.index_cast %scan3A_101 : i32 to index
        %get3A_413 = arith.constant 416 : index
        %get3A_414 = tpu.vector_load %arg7[%get3A_412, %get3A_413] {strides = array<i32>} : memref<56x512xf32, #tpu.memory_space<vmem>>, vector<1x16xf32>,
        %get3A_415 = vector.shape_cast %get3A_414 : vector<1x16xf32> to vector<16xf32>
        %mul3A_416 = arith.constant 22.6274166 : f32
        %mul3A_417 = vector.broadcast %mul3A_416 : f32 to vector<16xf32>
        %mul3A_418 = arith.mulf %get3A_415, %mul3A_417 : vector<16xf32>
        %swap3A_419 = arith.index_cast %scan3A_101 : i32 to index
        %swap3A_420 = arith.constant 416 : index
        %swap3A_421 = tpu.vector_load %arg9[%swap3A_419, %swap3A_420] {strides = array<i32>} : memref<50x512xf32, #tpu.memory_space<vmem>>, vector<1x16xf32>,
        %swap3A_422 = vector.shape_cast %swap3A_421 : vector<1x16xf32> to vector<16xf32>
        %swap3A_423 = vector.shape_cast %mul3A_418 : vector<16xf32> to vector<1x16xf32>
        tpu.vector_store %arg9[%swap3A_419, %swap3A_420], %swap3A_423 {strides = array<i32>} : memref<50x512xf32, #tpu.memory_space<vmem>>, vector<1x16xf32>,
        %get3A_424 = arith.index_cast %scan3A_101 : i32 to index
        %get3A_425 = arith.constant 432 : index
        %get3A_426 = tpu.vector_load %arg7[%get3A_424, %get3A_425] {strides = array<i32>} : memref<56x512xf32, #tpu.memory_space<vmem>>, vector<1x16xf32>,
        %get3A_427 = vector.shape_cast %get3A_426 : vector<1x16xf32> to vector<16xf32>
        %mul3A_428 = arith.constant 22.6274166 : f32
        %mul3A_429 = vector.broadcast %mul3A_428 : f32 to vector<16xf32>
        %mul3A_430 = arith.mulf %get3A_427, %mul3A_429 : vector<16xf32>
        %swap3A_431 = arith.index_cast %scan3A_101 : i32 to index
        %swap3A_432 = arith.constant 432 : index
        %swap3A_433 = tpu.vector_load %arg9[%swap3A_431, %swap3A_432] {strides = array<i32>} : memref<50x512xf32, #tpu.memory_space<vmem>>, vector<1x16xf32>,
        %swap3A_434 = vector.shape_cast %swap3A_433 : vector<1x16xf32> to vector<16xf32>
        %swap3A_435 = vector.shape_cast %mul3A_430 : vector<16xf32> to vector<1x16xf32>
        tpu.vector_store %arg9[%swap3A_431, %swap3A_432], %swap3A_435 {strides = array<i32>} : memref<50x512xf32, #tpu.memory_space<vmem>>, vector<1x16xf32>,
        %get3A_436 = arith.index_cast %scan3A_101 : i32 to index
        %get3A_437 = arith.constant 448 : index
        %get3A_438 = tpu.vector_load %arg7[%get3A_436, %get3A_437] {strides = array<i32>} : memref<56x512xf32, #tpu.memory_space<vmem>>, vector<1x16xf32>,
        %get3A_439 = vector.shape_cast %get3A_438 : vector<1x16xf32> to vector<16xf32>
        %mul3A_440 = arith.constant 22.6274166 : f32
        %mul3A_441 = vector.broadcast %mul3A_440 : f32 to vector<16xf32>
        %mul3A_442 = arith.mulf %get3A_439, %mul3A_441 : vector<16xf32>
        %swap3A_443 = arith.index_cast %scan3A_101 : i32 to index
        %swap3A_444 = arith.constant 448 : index
        %swap3A_445 = tpu.vector_load %arg9[%swap3A_443, %swap3A_444] {strides = array<i32>} : memref<50x512xf32, #tpu.memory_space<vmem>>, vector<1x16xf32>,
        %swap3A_446 = vector.shape_cast %swap3A_445 : vector<1x16xf32> to vector<16xf32>
        %swap3A_447 = vector.shape_cast %mul3A_442 : vector<16xf32> to vector<1x16xf32>
        tpu.vector_store %arg9[%swap3A_443, %swap3A_444], %swap3A_447 {strides = array<i32>} : memref<50x512xf32, #tpu.memory_space<vmem>>, vector<1x16xf32>,
        %get3A_448 = arith.index_cast %scan3A_101 : i32 to index
        %get3A_449 = arith.constant 464 : index
        %get3A_450 = tpu.vector_load %arg7[%get3A_448, %get3A_449] {strides = array<i32>} : memref<56x512xf32, #tpu.memory_space<vmem>>, vector<1x16xf32>,
        %get3A_451 = vector.shape_cast %get3A_450 : vector<1x16xf32> to vector<16xf32>
        %mul3A_452 = arith.constant 22.6274166 : f32
        %mul3A_453 = vector.broadcast %mul3A_452 : f32 to vector<16xf32>
        %mul3A_454 = arith.mulf %get3A_451, %mul3A_453 : vector<16xf32>
        %swap3A_455 = arith.index_cast %scan3A_101 : i32 to index
        %swap3A_456 = arith.constant 464 : index
        %swap3A_457 = tpu.vector_load %arg9[%swap3A_455, %swap3A_456] {strides = array<i32>} : memref<50x512xf32, #tpu.memory_space<vmem>>, vector<1x16xf32>,
        %swap3A_458 = vector.shape_cast %swap3A_457 : vector<1x16xf32> to vector<16xf32>
        %swap3A_459 = vector.shape_cast %mul3A_454 : vector<16xf32> to vector<1x16xf32>
        tpu.vector_store %arg9[%swap3A_455, %swap3A_456], %swap3A_459 {strides = array<i32>} : memref<50x512xf32, #tpu.memory_space<vmem>>, vector<1x16xf32>,
        %get3A_460 = arith.index_cast %scan3A_101 : i32 to index
        %get3A_461 = arith.constant 480 : index
        %get3A_462 = tpu.vector_load %arg7[%get3A_460, %get3A_461] {strides = array<i32>} : memref<56x512xf32, #tpu.memory_space<vmem>>, vector<1x16xf32>,
        %get3A_463 = vector.shape_cast %get3A_462 : vector<1x16xf32> to vector<16xf32>
        %mul3A_464 = arith.constant 22.6274166 : f32
        %mul3A_465 = vector.broadcast %mul3A_464 : f32 to vector<16xf32>
        %mul3A_466 = arith.mulf %get3A_463, %mul3A_465 : vector<16xf32>
        %swap3A_467 = arith.index_cast %scan3A_101 : i32 to index
        %swap3A_468 = arith.constant 480 : index
        %swap3A_469 = tpu.vector_load %arg9[%swap3A_467, %swap3A_468] {strides = array<i32>} : memref<50x512xf32, #tpu.memory_space<vmem>>, vector<1x16xf32>,
        %swap3A_470 = vector.shape_cast %swap3A_469 : vector<1x16xf32> to vector<16xf32>
        %swap3A_471 = vector.shape_cast %mul3A_466 : vector<16xf32> to vector<1x16xf32>
        tpu.vector_store %arg9[%swap3A_467, %swap3A_468], %swap3A_471 {strides = array<i32>} : memref<50x512xf32, #tpu.memory_space<vmem>>, vector<1x16xf32>,
        %get3A_472 = arith.index_cast %scan3A_101 : i32 to index
        %get3A_473 = arith.constant 496 : index
        %get3A_474 = tpu.vector_load %arg7[%get3A_472, %get3A_473] {strides = array<i32>} : memref<56x512xf32, #tpu.memory_space<vmem>>, vector<1x16xf32>,
        %get3A_475 = vector.shape_cast %get3A_474 : vector<1x16xf32> to vector<16xf32>
        %mul3A_476 = arith.constant 22.6274166 : f32
        %mul3A_477 = vector.broadcast %mul3A_476 : f32 to vector<16xf32>
        %mul3A_478 = arith.mulf %get3A_475, %mul3A_477 : vector<16xf32>
        %swap3A_479 = arith.index_cast %scan3A_101 : i32 to index
        %swap3A_480 = arith.constant 496 : index
        %swap3A_481 = tpu.vector_load %arg9[%swap3A_479, %swap3A_480] {strides = array<i32>} : memref<50x512xf32, #tpu.memory_space<vmem>>, vector<1x16xf32>,
        %swap3A_482 = vector.shape_cast %swap3A_481 : vector<1x16xf32> to vector<16xf32>
        %swap3A_483 = vector.shape_cast %mul3A_478 : vector<16xf32> to vector<1x16xf32>
        tpu.vector_store %arg9[%swap3A_479, %swap3A_480], %swap3A_483 {strides = array<i32>} : memref<50x512xf32, #tpu.memory_space<vmem>>, vector<1x16xf32>,
      }
      %scan3A_86 = arith.constant 50 : i32
      %lt3A_87 = arith.constant 63 : i32
      %lt3A_88 = arith.cmpi slt, %scan3A_36, %lt3A_87 : i32
      %convert_element_type3A_89 = arith.extui %lt3A_88 : i1 to i32
      %cond3A_90 = arith.constant 0 : i32
      %cond3A_91 = arith.cmpi ne, %convert_element_type3A_89, %cond3A_90 : i32
      scf.if %cond3A_91 {
        %add3A_101 = arith.constant 2 : i32
        %add3A_102 = arith.addi %add3A_68, %add3A_101 : i32
        %dma_start3A_103 = arith.constant 0 : i32
        %dma_start3A_104 = tpu.memref_slice %arg5[%add3A_102, %dma_start3A_103] : memref<128x56xi32, #tpu.memory_space<vmem>> -> memref<1x56xi32, #tpu.memory_space<vmem>>
        %dma_start3A_105 = tpu.memref_squeeze %dma_start3A_104 : memref<1x56xi32, #tpu.memory_space<vmem>> -> memref<56xi32, #tpu.memory_space<vmem>>
        %dma_start3A_106 = arith.constant 0 : i32
        %dma_start3A_107 = arith.constant 0 : i32
        %dma_start3A_108 = tpu.memref_slice %arg3[%dma_start3A_106, %dma_start3A_107] : memref<100000x512xf32, #tpu.memory_space<hbm>> -> memref<100000x512xf32, #tpu.memory_space<hbm>>
        tpu.enqueue_indirect_dma source(%dma_start3A_108 : memref<100000x512xf32, #tpu.memory_space<hbm>>) target(%arg7 : memref<56x512xf32, #tpu.memory_space<vmem>>) offsets(%dma_start3A_105 : memref<56xi32, #tpu.memory_space<vmem>>) semaphore(%arg11 : memref<!tpu.dma_semaphore, #tpu.memory_space<semaphore_mem>>)
      } else {
      }
      %add3A_92 = arith.addi %mul3A_2, %add3A_68 : i32
      %dma_start3A_93 = arith.constant 0 : i32
      %dma_start3A_94 = arith.constant 0 : i32
      %dma_start3A_95 = tpu.memref_slice %arg4[%add3A_92, %dma_start3A_93, %dma_start3A_94] : memref<4096x50x512xf32, #tpu.memory_space<hbm>> -> memref<1x50x512xf32, #tpu.memory_space<hbm>>
      %dma_start3A_96 = tpu.memref_squeeze %dma_start3A_95 : memref<1x50x512xf32, #tpu.memory_space<hbm>> -> memref<50x512xf32, #tpu.memory_space<hbm>>
      %dma_start3A_97 = arith.constant 0 : i32
      %dma_start3A_98 = arith.constant 0 : i32
      %dma_start3A_99 = tpu.memref_slice %arg4[%add3A_92, %dma_start3A_97, %dma_start3A_98] : memref<4096x50x512xf32, #tpu.memory_space<hbm>> -> memref<1x50x512xf32, #tpu.memory_space<hbm>>
      %dma_start3A_100 = tpu.memref_squeeze %dma_start3A_99 : memref<1x50x512xf32, #tpu.memory_space<hbm>> -> memref<50x512xf32, #tpu.memory_space<hbm>>
      tpu.enqueue_dma source(%arg9 : memref<50x512xf32, #tpu.memory_space<vmem>>) target(%dma_start3A_100 : memref<50x512xf32, #tpu.memory_space<hbm>>) target_semaphore(%arg13 : memref<!tpu.dma_semaphore, #tpu.memory_space<semaphore_mem>>)
    }
    %scan3A_20 = arith.constant 64 : i32
    %dma_wait3A = arith.constant 0 : i32
    %dma_wait3A_21 = arith.constant 0 : i32
    %dma_wait3A_22 = tpu.memref_slice %arg4[%mul3A_2, %dma_wait3A, %dma_wait3A_21] : memref<4096x50x512xf32, #tpu.memory_space<hbm>> -> memref<1x50x512xf32, #tpu.memory_space<hbm>>
    %dma_wait3A_23 = tpu.memref_squeeze %dma_wait3A_22 : memref<1x50x512xf32, #tpu.memory_space<hbm>> -> memref<50x512xf32, #tpu.memory_space<hbm>>
    %dma_wait3A_24 = arith.constant 0 : i32
    %dma_wait3A_25 = arith.constant 0 : i32
    %dma_wait3A_26 = tpu.memref_slice %arg4[%mul3A_2, %dma_wait3A_24, %dma_wait3A_25] : memref<4096x50x512xf32, #tpu.memory_space<hbm>> -> memref<1x50x512xf32, #tpu.memory_space<hbm>>
    %dma_wait3A_27 = tpu.memref_squeeze %dma_wait3A_26 : memref<1x50x512xf32, #tpu.memory_space<hbm>> -> memref<50x512xf32, #tpu.memory_space<hbm>>
    tpu.wait_dma2 semaphore(%arg12 : memref<!tpu.dma_semaphore, #tpu.memory_space<semaphore_mem>>) src(%arg8 : memref<50x512xf32, #tpu.memory_space<vmem>>) dst(%dma_wait3A_27 : memref<50x512xf32, #tpu.memory_space<hbm>>)
    %dma_wait3A_28 = arith.constant 0 : i32
    %dma_wait3A_29 = arith.constant 0 : i32
    %dma_wait3A_30 = tpu.memref_slice %arg4[%mul3A_2, %dma_wait3A_28, %dma_wait3A_29] : memref<4096x50x512xf32, #tpu.memory_space<hbm>> -> memref<1x50x512xf32, #tpu.memory_space<hbm>>
    %dma_wait3A_31 = tpu.memref_squeeze %dma_wait3A_30 : memref<1x50x512xf32, #tpu.memory_space<hbm>> -> memref<50x512xf32, #tpu.memory_space<hbm>>
    %dma_wait3A_32 = arith.constant 0 : i32
    %dma_wait3A_33 = arith.constant 0 : i32
    %dma_wait3A_34 = tpu.memref_slice %arg4[%mul3A_2, %dma_wait3A_32, %dma_wait3A_33] : memref<4096x50x512xf32, #tpu.memory_space<hbm>> -> memref<1x50x512xf32, #tpu.memory_space<hbm>>
    %dma_wait3A_35 = tpu.memref_squeeze %dma_wait3A_34 : memref<1x50x512xf32, #tpu.memory_space<hbm>> -> memref<50x512xf32, #tpu.memory_space<hbm>>
    tpu.wait_dma2 semaphore(%arg13 : memref<!tpu.dma_semaphore, #tpu.memory_space<semaphore_mem>>) src(%arg9 : memref<50x512xf32, #tpu.memory_space<vmem>>) dst(%dma_wait3A_35 : memref<50x512xf32, #tpu.memory_space<hbm>>)
    return
  }
}

</mosaic_0001>

<sc_bundles>
// kernel: kernel.3.cloned.1.call-start
scs
__scs_entry_jumppad:
0x0: {  	(pc) =	sbr.rel $0x88, $3  }
0x1: {  	(tag) =	ssettag $0x0;
	lr =	simm.s32 $0x1  }
0x2: {  	[smem:$0x3F9F] =	sst lr;
	_ =	strace $0xD0000000  }
0x3: {  	_ = 	snop  }
0x4: {  	_ = 	snop  }
0x5: {  	_ = 	snop  }
0x6: {  	_ = 	snop  }
0x7: {  	_ = 	snop  }
__scs_overlays_trampoline_lowered:
0x8: {  	[smem:$0x3FAE] =	sst s0  }
0x9: {  	[smem:$0x3FAF] =	sst s1  }
0xa: {  	[smem:$0x3FB0] =	sst s2  }
0xb: {  	[smem:$0x3FB1] =	sst s3  }
0xc: {  	[smem:$0x3FB2] =	sst s4  }
0xd: {  	[smem:$0x3FB3] =	sst s5  }
0xe: {  	[smem:$0x3FB4] =	sst s6  }
0xf: {  	[smem:$0x3FB5] =	sst s7  }
0x10: {  	[smem:$0x3FB6] =	sst s8  }
0x11: {  	[smem:$0x3FB7] =	sst s9;
	s0 =	simm.s32 @!p0 $0x0  }
0x12: {  	s1 =	sld [smem:$0x3F9D];
	s0 =	simm.s32 @p0 $0x1  }
0x13: {  	[smem:$0x3FB8] =	sst s0;
	s0 =	simm.s32 @!p1 $0x0  }
0x14: {  	s2 =	sld [smem:$0x3F9C];
	s0 =	simm.s32 @p1 $0x1  }
0x15: {  	[smem:$0x3FB9] =	sst s0;
	s0 =	simm.s32 @!p2 $0x0  }
0x16: {  	s3 =	sld [smem:$0x3FDB];
	s0 =	simm.s32 @p2 $0x1  }
0x17: {  	s4 =	simm.s32 $0x1BF5;
	[smem:$0x3FBB] =	sst s0  }
0x18: {  	s0 =	sld [smem:$0x3F9E];
	_ =	swait.ge [sflag:s4], $0x0  }
0x19: {  	s7 =	sld [smem:$0x3F9F]  }
0x1a: {  	s8 =	sadd.s32 $0xFFFFE003, lr  }
0x1b: {  	s9 =	sadd.s32 $0xFFFFFEF7, lr;
	s5 =	simm.s32 $0xFFFFFFFF;
	p2 =	slt.u32 s8, $0xFFFFF086  }
0x1c: {  	p1 =	slt.u32 s9, $0xF7A;
	s5 =	simm.s32 @!p2 $0x0  }
0x1d: {  	s5 =	simm.s32 @p1 $0x1;
	p0 =	seq.s32 s7, s2  }
0x1e: {  	s7 =	smul.u32 @!p0 $0xF7A, s2;
	p2 =	seq.s32 @!p0 s5, $0x0  }
0x1f: {  	s9 =	smul.u32 $0xF7A, s1;
	s8 =	simm.s32 @!p0 $0x1BF5;
	p2 =	por !p2, p0  }
0x20: {  	[sflag:s8] =	ssyncset.s32 @!p0 $0xFFFFF086;
	s6 =	sadd.s32 @!p0 s3, s7;
	s7 =	simm.s32 @!p0 $0x108  }
0x21: {  	s3 =	sadd.s32 s3, s9;
	s6 =	sadd.s32 @!p0 $0x88, s6;
	s7 =	simm.s32 @p2 $0x1082  }
0x22: {  	[simem:s7], [sflag:s8] =	dma.local @!p0 [hbm:s6], $0xF7A  }
0x23: {  	s9 =	sor.u32 $0xD0000000, s2;
	s6 =	simm.s32 $0x108;
	_ =	swait.ge @!p0 [sflag:s8], $0x0  }
0x24: {  	s3 =	sadd.s32 $0x88, s3;
	s6 =	simm.s32 @!p1 $0x1082;
	[sflag:s4] =	ssyncset.s32 $0xFFFFF086  }
0x25: {  	[simem:s6], [sflag:s4] =	dma.local [hbm:s3], $0xF7A  }
0x26: {  	[smem:$0x3F9F] =	sst s1;
	(tag) =	ssettag s2;
	_ =	strace s9  }
0x27: {  	s1 =	sld [smem:$0x3FAF]  }
0x28: {  	s2 =	sld [smem:$0x3FB0]  }
0x29: {  	s4 =	sld [smem:$0x3FB2]  }
0x2a: {  	p0 =	seq.s32 s5, $0x0;
	s5 =	sld [smem:$0x3FB3]  }
0x2b: {  	s6 =	sld [smem:$0x3FB4]  }
0x2c: {  	s7 =	sld [smem:$0x3FB5]  }
0x2d: {  	s3 =	simm.s32 $0x108;
	s8 =	sld [smem:$0x3FB6]  }
0x2e: {  	s3 =	simm.s32 @!p0 $0x1082;
	s9 =	sld [smem:$0x3FB7]  }
0x2f: {  	lr =	sadd.s32 s0, s3;
	s0 =	sld [smem:$0x3FAE]  }
0x30: {  	s3 =	sld [smem:$0x3FB1]  }
0x31: {  	[smem:$0x3FBA] =	sst s10  }
0x32: {  	s10 =	sld [smem:$0x3FB8];
	_ =	sdelay $0x3  }
0x33: {  	p0 =	seq.s32 s10, $0x1;
	s10 =	sld [smem:$0x3FBA];
	_ =	sdelay $0x3  }
0x34: {  	[smem:$0x3FBA] =	sst s10  }
0x35: {  	s10 =	sld [smem:$0x3FB9];
	_ =	sdelay $0x3  }
0x36: {  	p1 =	seq.s32 s10, $0x1;
	s10 =	sld [smem:$0x3FBA];
	_ =	sdelay $0x3  }
0x37: {  	[smem:$0x3FBA] =	sst s10  }
0x38: {  	s10 =	sld [smem:$0x3FBB]  }
0x39: {  	_ = 	snop;
	(pc) =	sbr.ind lr, $3  }
0x3a: {  	_ = 	snop  }
0x3b: {  	_ = 	snop  }
0x3c: {  	p2 =	seq.s32 s10, $0x1;
	s10 =	sld [smem:$0x3FBA]  }
0x3d: {  	_ =	shalt  }
0x3e: {  	_ =	shalt  }
0x3f: {  	_ =	shalt  }
0x40: {  	_ =	shalt  }
0x41: {  	_ =	shalt  }
0x42: {  	_ =	shalt  }
0x43: {  	_ =	shalt  }
0x44: {  	_ =	shalt  }
0x45: {  	_ =	shalt  }
0x46: {  	_ =	shalt  }
0x47: {  	_ =	shalt  }
0x48: {  	_ =	shalt  }
0x49: {  	_ =	shalt  }
0x4a: {  	_ =	shalt  }
0x4b: {  	_ =	shalt  }
0x4c: {  	_ =	shalt  }
0x4d: {  	_ =	shalt  }
0x4e: {  	_ =	shalt  }
0x4f: {  	_ =	shalt  }
0x50: {  	_ =	shalt  }
0x51: {  	_ =	shalt  }
0x52: {  	_ =	shalt  }
0x53: {  	_ =	shalt  }
0x54: {  	_ =	shalt  }
0x55: {  	_ =	shalt  }
0x56: {  	_ =	shalt  }
0x57: {  	_ =	shalt  }
0x58: {  	_ =	shalt  }
0x59: {  	_ =	shalt  }
0x5a: {  	_ =	shalt  }
0x5b: {  	_ =	shalt  }
0x5c: {  	_ =	shalt  }
0x5d: {  	_ =	shalt  }
0x5e: {  	_ =	shalt  }
0x5f: {  	_ =	shalt  }
0x60: {  	_ =	shalt  }
0x61: {  	_ =	shalt  }
0x62: {  	_ =	shalt  }
0x63: {  	_ =	shalt  }
0x64: {  	_ =	shalt  }
0x65: {  	_ =	shalt  }
0x66: {  	_ =	shalt  }
0x67: {  	_ =	shalt  }
0x68: {  	_ =	shalt  }
0x69: {  	_ =	shalt  }
0x6a: {  	_ =	shalt  }
0x6b: {  	_ =	shalt  }
0x6c: {  	_ =	shalt  }
0x6d: {  	_ =	shalt  }
0x6e: {  	_ =	shalt  }
0x6f: {  	_ =	shalt  }
0x70: {  	_ =	shalt  }
0x71: {  	_ =	shalt  }
0x72: {  	_ =	shalt  }
0x73: {  	_ =	shalt  }
0x74: {  	_ =	shalt  }
0x75: {  	_ =	shalt  }
0x76: {  	_ =	shalt  }
0x77: {  	_ =	shalt  }
0x78: {  	_ =	shalt  }
0x79: {  	_ =	shalt  }
0x7a: {  	_ =	shalt  }
0x7b: {  	_ =	shalt  }
0x7c: {  	_ =	shalt  }
0x7d: {  	_ =	shalt  }
0x7e: {  	_ =	shalt  }
0x7f: {  	_ =	shalt  }
0x80: {  	_ =	shalt  }
0x81: {  	_ =	shalt  }
0x82: {  	_ =	shalt  }
0x83: {  	_ =	shalt  }
0x84: {  	_ =	shalt  }
0x85: {  	_ =	shalt  }
0x86: {  	_ =	shalt  }
0x87: {  	_ =	shalt  }
.Lfunc_end0:
.L_simem_size_0:
called_computation_lowered:
.L_overlay_start_0:
0x88: {  	s2 =	sld [smem:$0x3FD9]  }
0x89: {  	s3 =	sld [smem:$0x3FFE];
	_ =	sdelay $0x1  }
0x8a: {  	s1 =	srdreg.scid  }
0x8b: {  	s0 =	sand.u32 $0x1, s1  }
0x8c: {  	s17 =	sshll.u32 s0, $0xA;
	s2 =	sadd.s32 s3, s2  }
0x8d: {  	s2 =	sadd.s32 s2, s17  }
0x8e: {  	[smem:$0x3FC6] =	sst s2  }
0x8f: {  	_ = 	snop  }
0x90: {  	s2 =	sld [smem:$0x3FC8]  }
0x91: {  	s18 =	sld [smem:$0x3FD0];
	(tm) =	ssettm $0x1  }
0x92: {  	s4 =	sld [smem:$0x3FFB];
	_ =	sdelay $0x3  }
0x93: {  	_ =	strace s4  }
0x94: {  	s4 =	sld [smem:$0x3FFC];
	_ =	sdelay $0x3  }
0x95: {  	_ =	strace s4  }
0x96: {  	s4 =	sld [smem:$0x3FFD];
	_ =	sdelay $0x3  }
0x97: {  	_ =	strace s4  }
0x98: {  	_ =	strace $0x8FFFFFFF  }
0x99: {  	s19 =	sld [smem:$0x3FDB];
	_ =	sdelay $0x1  }
0x9a: {  	s5 =	simm.s32 $_scs_section_size  }
0x9b: {  	s6 =	simm.s32 $_size__tile_overlayer_lowered;
	s7 =	simm.s32 $_tile_overlayer_lowered  }
0x9c: {  	s22 =	simm.s32 $0x1BFF;
	s21 =	sshll.u32 s7, $0x1;
	s4 =	sadd.s32 s5, s19  }
0x9d: {  	s8 =	simm.s32 $0x0;
	s20 =	sshll.u32 s6, $0x1;
	s6 =	sadd.s32 s21, s4  }
0x9e: {  	[timem:s8], [sflag:s22] =	dma.local [hbm:s6], s20  }
0x9f: {  	_ =	swait.ge [sflag:s22], s20  }
0xa0: {  	s5 =	ssub.s32 $0x0, s20;
	[sflag:s22] =	ssyncset.done $0x0  }
0xa1: {  	[sflag:s22] =	ssyncadd.s32 s5;
	_ =	sdelay $0x1  }
0xa2: {  	s23 =	simm.s32 $0x1B8B  }
0xa3: {  	_ =	swait.ge [sflag:s23], $0x1  }
0xa4: {  	[sflag:s23] =	ssyncset.done $0x0  }
0xa5: {  	s25 =	simm.s32 $0x1B8E;
	s24 =	sld [smem:$0x3FFE];
	[sflag:s23] =	ssyncadd.s32 $0xFFFFFFFF  }
0xa6: {  	s26 =	simm.s32 $execute0_lowered;
	[smem:$0x3FD2] =	sst s25  }
0xa7: {  	s6 =	sshll.u32 s26, $0x1;
	_ =	strace $0x80000046;
	[dreg:$0x1] =	wrdreg $0xFFFFFFFF  }
0xa8: {  	s28 =	simm.s32 $_size_execute0_lowered;
	s4 =	sadd.s32 s4, s6;
	[dreg:$0x0] =	wrdreg $0x0  }
0xa9: {  	s6 =	sshll.u32 s28, $0x1;
	[dreg:$0x2] =	wrdreg s4  }
0xaa: {  	[dreg:$0x3] =	wrdreg s6  }
0xab: {  	[dreg:$0x4] =	wrdreg $0xC0  }
0xac: {  	_ =	task [dreg:s8], $0x5FFFF  }
0xad: {  	[dreg:$0x1] =	wrdreg $0xFFFFFFFF  }
0xae: {  	[dreg:$0x0] =	wrdreg $0x60  }
0xaf: {  	[dreg:$0x2] =	wrdreg s18  }
0xb0: {  	[dreg:$0x3] =	wrdreg s2  }
0xb1: {  	[dreg:$0x4] =	wrdreg s24  }
0xb2: {  	[dreg:$0x5] =	wrdreg $0x9  }
0xb3: {  	_ =	task.clear_ibuf [dreg:s8], $0x6FFFF;
	_ =	strace $0x90000046  }
0xb4: {  	s29 =	simm.s32 $0x9;
	_ =	strace $0x80000048  }
0xb5: {  	_ =	swait.ge [sflag:s29], $0x1  }
0xb6: {  	[sflag:s29] =	ssyncadd.s32 $0xFFFFFFFF  }
0xb7: {  	_ =	strace $0x90000048  }
0xb8: {  	_ =	sfence  }
0xb9: {  	s30 =	sld [smem:$0x0];
	_ =	sdelay $0x2  }
0xba: {  	s31 =	sshll.u32 s1, $0xD;
	s1 =	sshrl.u32 s1, $0x2  }
0xbb: {  	s3 =	sand.u32 $0x4000, s31;
	s1 =	sadd.s32 s1, s30  }
0xbc: {  	s0 =	sor.u32 s3, s0;
	s1 =	sshll.u32 s1, $0x11  }
0xbd: {  	s0 =	sor.u32 s1, s0  }
0xbe: {  	s0 =	sadd.s32 $0x8F2B, s0  }
0xbf: {  	[sflag:s0] =	ssyncadd.remote.s32 $0x1  }
0xc0: {  	_ =	sfence.sel $0xFFFF  }
0xc1: {  	[dreg:$0x0] =	wrdreg $0xFFFFFFFF;
	(pc) =	sbr.abs _section_cstart, $3  }
0xc2: {  	[dreg:$0x1] =	wrdreg $0xFFFFFFFF  }
0xc3: {  	_ =	task.clear_ibuf [dreg:s8], $0x2FFFF;
	_ =	strace $0x9FFFFFFF  }
0xc4: {  	(tm) =	ssettm $0x7FFFFFFF  }
0xc5: {  	_ =	shalt  }
tec
execute0_lowered:
.L_overlay_start_1:
0x0: {  	(tag) =	ssettag $0x1  }
0x1: {  	s0 =	rddreg [dreg:$0x0]  }
0x2: {  	s2 =	rddreg [dreg:$0x1]  }
0x3: {  	s1 =	rddreg [dreg:$0x2]  }
0x4: {  	s4 =	srdreg.scid;
	s5 =	stileid.u32;
	s3 =	simm.s32 $0x0  }
0x5: {  	s24 =	simm.s32 $0xB000;
	s28 =	simm.s32 $0xC800;
	s29 =	simm.s32 $0xD000  }
0x6: {  	s30 =	simm.s32 $0xD800;
	s31 =	simm.s32 $0xE000;
	s9 =	simm.s32 $0x10800  }
0x7: {  	s10 =	simm.s32 $0x11000;
	s11 =	simm.s32 $0x11800;
	s12 =	simm.s32 $0x1  }
0x8: {  	s13 =	simm.s32 $0x12000;
	s14 =	simm.s32 $0x2;
	s15 =	simm.s32 $0x19000  }
0x9: {  	s18 =	simm.s32 $0x0;
	s4 =	sand.u32 $0x1, s4;
	s5 =	sshll.u32 s5, $0x1  }
0xa: {  	[smem:$0x7FF] =	sst s3;
	s6 =	ssub.s32 $0x2, s4;
	s5 =	sor.u32 s4, s5  }
0xb: {  	_ =	strace $0x80000047;
	s4 =	sadd.s32 $0x600, s1;
	s1 =	simm.s32 $0xF000  }
.Ltmp0:
0xc: {  	s7 =	sshrl.u32 s6, $0x1;
	s8 =	sshll.u32 s5, $0xB;
	(pc) =	sbr.rel .LBB2_1-.Ltmp0, $4  }
0xd: {  	s25 =	ssub.s32 s6, s7;
	s0 =	sadd.s32 s0, s8;
	s6 =	sshll.u32 s5, $0x7  }
0xe: {  	v2 =	vlaneseq.u32;
	s7 =	sadd.s32 $0x100, s2;
	s5 =	simm.s32 $0xF800;
	s8 =	simm.s32 $0x10000  }
0xf: {  	vm0 =	vmmov $0xffff;
	v1 =	vshrl.u32 v2, $0x3;
	[dreg:$0x4] =	wrdreg s0;
	s26 =	smax.u32 s25, $0x1;
	s25 =	simm.s32 $0xB800  }
0x10: {  	v0 =	vand.u32 $0x7, v2;
	v2 =	vor.u32 $0x8, v2;
	v1 =	vmul.u32 $0x8, v1;
	s0 =	simm.s32 $0xE800;
	[dreg:$0x5] =	wrdreg s26;
	s26 =	simm.s32 $0xC000  }
.LBB2_11:
0x11: {  	s16 =	simm.s32 $0x3  }
0x12: {  	_ =	swait.ge [sflag:s16], $0x7000  }
0x13: {  	[sflag:s16] =	ssyncset.done $0x0  }
0x14: {  	s17 =	simm.s32 $0x4;
	[sflag:s16] =	ssyncadd.s32 $0xFFFF9000  }
0x15: {  	_ =	swait.ge [sflag:s17], $0x7000  }
0x16: {  	s18 =	rddreg [dreg:$0x6]  }
0x17: {  	s23 =	rddreg [dreg:$0x5];
	s18 =	sadd.s32 $0x1, s18  }
0x18: {  	p0 =	sne.s32 s18, s23  }
.Ltmp1:
0x19: {  	_ = 	snop;
	(pc) =	sbr.rel @!p0 .LBB2_12-.Ltmp1, $3  }
0x1a: {  	_ =	sdelay $0x1  }
0x1b: {  	[sflag:s17] =	ssyncset.done $0x0  }
0x1c: {  	[sflag:s17] =	ssyncadd.s32 $0xFFFF9000  }
.LBB2_1:
0x1d: {  	[dreg:$0x6] =	wrdreg s18  }
0x1e: {  	s16 =	rddreg [dreg:$0x4];
	s23 =	simm.s32 $0x5  }
0x1f: {  	[tilespmem:s3], [sflag:$0x5] =	stream.linear.gather [hbm4b:s16+s3], $0x4000, $0x38;
	v63 =	vld [tilespmem:$0x0]  }
0x20: {  	_ =	swait.ge [sflag:s23], $0x4000  }
0x21: {  	[sflag:s23] =	ssyncset.done $0x0  }
0x22: {  	[sflag:s23] =	ssyncadd.s32 $0xFFFFC000  }
0x23: {  	v3 =	vld [tilespmem:$0x0];
	_ =	sdelay $0x4  }
0x24: {  	v4 =	vshll.u32 v3, $0x2  }
0x25: {  	v3 =	vand.u32 $0x7, v3;
	v4 =	vand.u32 $0xFFFFFFE0, v4  }
0x26: {  	v3 =	vor.u32 v3, v4  }
0x27: {  	v4 =	vperm.xlane v3, v0;
	_ =	sdelay $0x1  }
0x28: {  	v4 =	vadd.s32 v1, v4;
	_ =	sdelay $0x1  }
0x29: {  	v3 =	vperm.xlane v3, v2;
	_ =	sdelay $0x1  }
0x2a: {  	s17 =	simm.s32 $0x4000;
	v3 =	vadd.s32 v1, v3  }
0x2b: {  	[tilespmem:s17], [sflag:$0x1] =	stream.indirect_vreg.gather [hbm4b:s2+s3], $0x80, v4, vm0, $0xb8;
	v63 =	vld [tilespmem:$0x0]  }
0x2c: {  	s18 =	simm.s32 $0x4800  }
0x2d: {  	[tilespmem:s18], [sflag:$0x1] =	stream.indirect_vreg.gather [hbm4b:s7+s3], $0x80, v4, vm0, $0xb8;
	v63 =	vld [tilespmem:$0x0]  }
0x2e: {  	s19 =	simm.s32 $0x5000  }
0x2f: {  	[tilespmem:s19], [sflag:$0x1] =	stream.indirect_vreg.gather [hbm4b:s2+s3], $0x80, v3, vm0, $0xb8;
	v63 =	vld [tilespmem:$0x0]  }
0x30: {  	s20 =	simm.s32 $0x5800  }
0x31: {  	[tilespmem:s20], [sflag:$0x1] =	stream.indirect_vreg.gather [hbm4b:s7+s3], $0x80, v3, vm0, $0xb8;
	v63 =	vld [tilespmem:$0x0]  }
0x32: {  	v3 =	vld [tilespmem:$0x10];
	_ =	sdelay $0x4  }
0x33: {  	v56 =	vshll.u32 v3, $0x2  }
0x34: {  	v3 =	vand.u32 $0x7, v3;
	v4 =	vand.u32 $0xFFFFFFE0, v56  }
0x35: {  	v3 =	vor.u32 v3, v4  }
0x36: {  	v4 =	vperm.xlane v3, v0;
	_ =	sdelay $0x1  }
0x37: {  	v4 =	vadd.s32 v1, v4;
	_ =	sdelay $0x1  }
0x38: {  	v3 =	vperm.xlane v3, v2;
	_ =	sdelay $0x1  }
0x39: {  	s21 =	simm.s32 $0x6000;
	v3 =	vadd.s32 v1, v3  }
0x3a: {  	[tilespmem:s21], [sflag:$0x1] =	stream.indirect_vreg.gather [hbm4b:s2+s3], $0x80, v4, vm0, $0xb8;
	v63 =	vld [tilespmem:$0x0]  }
0x3b: {  	s22 =	simm.s32 $0x6800  }
0x3c: {  	[tilespmem:s22], [sflag:$0x1] =	stream.indirect_vreg.gather [hbm4b:s7+s3], $0x80, v4, vm0, $0xb8;
	v63 =	vld [tilespmem:$0x0]  }
0x3d: {  	s23 =	simm.s32 $0x7000  }
0x3e: {  	[tilespmem:s23], [sflag:$0x1] =	stream.indirect_vreg.gather [hbm4b:s2+s3], $0x80, v3, vm0, $0xb8;
	v63 =	vld [tilespmem:$0x0]  }
0x3f: {  	s17 =	simm.s32 $0x7800  }
0x40: {  	[tilespmem:s17], [sflag:$0x1] =	stream.indirect_vreg.gather [hbm4b:s7+s3], $0x80, v3, vm0, $0xb8;
	v63 =	vld [tilespmem:$0x0]  }
0x41: {  	v3 =	vld [tilespmem:$0x20];
	_ =	sdelay $0x4  }
0x42: {  	v57 =	vshll.u32 v3, $0x2  }
0x43: {  	v3 =	vand.u32 $0x7, v3;
	v4 =	vand.u32 $0xFFFFFFE0, v57  }
0x44: {  	v3 =	vor.u32 v3, v4  }
0x45: {  	v4 =	vperm.xlane v3, v0;
	_ =	sdelay $0x1  }
0x46: {  	v4 =	vadd.s32 v1, v4;
	_ =	sdelay $0x1  }
0x47: {  	v3 =	vperm.xlane v3, v2;
	_ =	sdelay $0x1  }
0x48: {  	s18 =	simm.s32 $0x8000;
	v3 =	vadd.s32 v1, v3  }
0x49: {  	[tilespmem:s18], [sflag:$0x1] =	stream.indirect_vreg.gather [hbm4b:s2+s3], $0x80, v4, vm0, $0xb8;
	v63 =	vld [tilespmem:$0x0]  }
0x4a: {  	s19 =	simm.s32 $0x8800  }
0x4b: {  	[tilespmem:s19], [sflag:$0x1] =	stream.indirect_vreg.gather [hbm4b:s7+s3], $0x80, v4, vm0, $0xb8;
	v63 =	vld [tilespmem:$0x0]  }
0x4c: {  	s20 =	simm.s32 $0x9000  }
0x4d: {  	[tilespmem:s20], [sflag:$0x1] =	stream.indirect_vreg.gather [hbm4b:s2+s3], $0x80, v3, vm0, $0xb8;
	v63 =	vld [tilespmem:$0x0]  }
0x4e: {  	s21 =	simm.s32 $0x9800  }
0x4f: {  	[tilespmem:s21], [sflag:$0x1] =	stream.indirect_vreg.gather [hbm4b:s7+s3], $0x80, v3, vm0, $0xb8;
	v63 =	vld [tilespmem:$0x0]  }
0x50: {  	v3 =	vld.msk [tilespmem:$0x30], $0xff;
	_ =	sdelay $0x4  }
0x51: {  	v58 =	vshll.u32 v3, $0x2  }
0x52: {  	v3 =	vand.u32 $0x7, v3;
	v4 =	vand.u32 $0xFFFFFFE0, v58  }
0x53: {  	v3 =	vor.u32 v3, v4  }
0x54: {  	v3 =	vperm.xlane v3, v0;
	_ =	sdelay $0x1  }
0x55: {  	v3 =	vadd.s32 v1, v3;
	_ =	sdelay $0x3  }
0x56: {  	s22 =	simm.s32 $0xA000  }
0x57: {  	[tilespmem:s22], [sflag:$0x1] =	stream.indirect_vreg.gather [hbm4b:s2+s3], $0x80, v3, vm0, $0xb8;
	v63 =	vld [tilespmem:$0x0]  }
0x58: {  	s23 =	simm.s32 $0xA800  }
0x59: {  	[tilespmem:s23], [sflag:$0x1] =	stream.indirect_vreg.gather [hbm4b:s7+s3], $0x80, v3, vm0, $0xb8;
	v63 =	vld [tilespmem:$0x0]  }
0x5a: {  	v3 =	vld [tilespmem:$0x80];
	_ =	sdelay $0x4  }
0x5b: {  	v59 =	vshll.u32 v3, $0x2  }
0x5c: {  	v3 =	vand.u32 $0x7, v3;
	v4 =	vand.u32 $0xFFFFFFE0, v59  }
0x5d: {  	v3 =	vor.u32 v3, v4  }
0x5e: {  	v4 =	vperm.xlane v3, v0;
	_ =	sdelay $0x1  }
0x5f: {  	v4 =	vadd.s32 v1, v4;
	_ =	sdelay $0x1  }
0x60: {  	v3 =	vperm.xlane v3, v2;
	_ =	sdelay $0x1  }
0x61: {  	v3 =	vadd.s32 v1, v3  }
0x62: {  	[tilespmem:s24], [sflag:$0x2] =	stream.indirect_vreg.gather [hbm4b:s2+s3], $0x80, v4, vm0, $0xb8;
	v63 =	vld [tilespmem:$0x0]  }
0x63: {  	_ = 	snop  }
0x64: {  	[tilespmem:s25], [sflag:$0x2] =	stream.indirect_vreg.gather [hbm4b:s7+s3], $0x80, v4, vm0, $0xb8;
	v63 =	vld [tilespmem:$0x0]  }
0x65: {  	_ = 	snop  }
0x66: {  	[tilespmem:s26], [sflag:$0x2] =	stream.indirect_vreg.gather [hbm4b:s2+s3], $0x80, v3, vm0, $0xb8;
	v63 =	vld [tilespmem:$0x0]  }
0x67: {  	_ = 	snop  }
0x68: {  	[tilespmem:s28], [sflag:$0x2] =	stream.indirect_vreg.gather [hbm4b:s7+s3], $0x80, v3, vm0, $0xb8;
	v63 =	vld [tilespmem:$0x0]  }
0x69: {  	v3 =	vld [tilespmem:$0x90];
	_ =	sdelay $0x4  }
0x6a: {  	v60 =	vshll.u32 v3, $0x2  }
0x6b: {  	v3 =	vand.u32 $0x7, v3;
	v4 =	vand.u32 $0xFFFFFFE0, v60  }
0x6c: {  	v3 =	vor.u32 v3, v4  }
0x6d: {  	v4 =	vperm.xlane v3, v0;
	_ =	sdelay $0x1  }
0x6e: {  	v4 =	vadd.s32 v1, v4;
	_ =	sdelay $0x1  }
0x6f: {  	v3 =	vperm.xlane v3, v2;
	_ =	sdelay $0x1  }
0x70: {  	v3 =	vadd.s32 v1, v3  }
0x71: {  	[tilespmem:s29], [sflag:$0x2] =	stream.indirect_vreg.gather [hbm4b:s2+s3], $0x80, v4, vm0, $0xb8;
	v63 =	vld [tilespmem:$0x0]  }
0x72: {  	_ = 	snop  }
0x73: {  	[tilespmem:s30], [sflag:$0x2] =	stream.indirect_vreg.gather [hbm4b:s7+s3], $0x80, v4, vm0, $0xb8;
	v63 =	vld [tilespmem:$0x0]  }
0x74: {  	_ = 	snop  }
0x75: {  	[tilespmem:s31], [sflag:$0x2] =	stream.indirect_vreg.gather [hbm4b:s2+s3], $0x80, v3, vm0, $0xb8;
	v63 =	vld [tilespmem:$0x0]  }
0x76: {  	_ = 	snop  }
0x77: {  	[tilespmem:s0], [sflag:$0x2] =	stream.indirect_vreg.gather [hbm4b:s7+s3], $0x80, v3, vm0, $0xb8;
	v63 =	vld [tilespmem:$0x0]  }
0x78: {  	v3 =	vld [tilespmem:$0xA0];
	_ =	sdelay $0x4  }
0x79: {  	v61 =	vshll.u32 v3, $0x2  }
0x7a: {  	v3 =	vand.u32 $0x7, v3;
	v4 =	vand.u32 $0xFFFFFFE0, v61  }
0x7b: {  	v3 =	vor.u32 v3, v4  }
0x7c: {  	v4 =	vperm.xlane v3, v0;
	_ =	sdelay $0x1  }
0x7d: {  	v4 =	vadd.s32 v1, v4;
	_ =	sdelay $0x1  }
0x7e: {  	v3 =	vperm.xlane v3, v2;
	_ =	sdelay $0x1  }
0x7f: {  	v3 =	vadd.s32 v1, v3  }
0x80: {  	[tilespmem:s1], [sflag:$0x2] =	stream.indirect_vreg.gather [hbm4b:s2+s3], $0x80, v4, vm0, $0xb8;
	v63 =	vld [tilespmem:$0x0]  }
0x81: {  	_ = 	snop  }
0x82: {  	[tilespmem:s5], [sflag:$0x2] =	stream.indirect_vreg.gather [hbm4b:s7+s3], $0x80, v4, vm0, $0xb8;
	v63 =	vld [tilespmem:$0x0]  }
0x83: {  	_ = 	snop  }
0x84: {  	[tilespmem:s8], [sflag:$0x2] =	stream.indirect_vreg.gather [hbm4b:s2+s3], $0x80, v3, vm0, $0xb8;
	v63 =	vld [tilespmem:$0x0]  }
0x85: {  	_ = 	snop  }
0x86: {  	[tilespmem:s9], [sflag:$0x2] =	stream.indirect_vreg.gather [hbm4b:s7+s3], $0x80, v3, vm0, $0xb8;
	v63 =	vld [tilespmem:$0x0]  }
0x87: {  	v3 =	vld.msk [tilespmem:$0xB0], $0xff;
	_ =	sdelay $0x4  }
0x88: {  	v62 =	vshll.u32 v3, $0x2  }
0x89: {  	v3 =	vand.u32 $0x7, v3;
	v4 =	vand.u32 $0xFFFFFFE0, v62  }
0x8a: {  	v3 =	vor.u32 v3, v4  }
0x8b: {  	v3 =	vperm.xlane v3, v0;
	_ =	sdelay $0x1  }
0x8c: {  	v3 =	vadd.s32 v1, v3;
	_ =	sdelay $0x2  }
.Ltmp2:
0x8d: {  	_ = 	snop;
	(pc) =	sbr.rel .LBB2_2-.Ltmp2, $4  }
0x8e: {  	_ = 	snop  }
0x8f: {  	[tilespmem:s10], [sflag:$0x2] =	stream.indirect_vreg.gather [hbm4b:s2+s3], $0x80, v3, vm0, $0xb8;
	v63 =	vld [tilespmem:$0x0]  }
0x90: {  	s16 =	simm.s32 $0x0  }
0x91: {  	[tilespmem:s11], [sflag:$0x2] =	stream.indirect_vreg.gather [hbm4b:s7+s3], $0x80, v3, vm0, $0xb8;
	v63 =	vld [tilespmem:$0x0]  }
.LBB2_10:
0x92: {  	s16 =	sadd.s32 $0x1, s16  }
0x93: {  	p0 =	sne.s32 s16, $0x40  }
.Ltmp3:
0x94: {  	s17 =	sadd.s32 s6, s17;
	(pc) =	sbr.rel @!p0 .LBB2_11-.Ltmp3, $3  }
0x95: {  	s17 =	smul.u32 $0xE00, s17;
	_ =	sdelay $0x1  }
0x96: {  	s17 =	sadd.s32 s4, s17  }
0x97: {  	[hbm4b:s17+s3] =	stream.linear.scatter [tilespmem:s15], [sflag:$0x4], $0x7000, $0x38;
	v63 =	vld [tilespmem:$0x0]  }
.LBB2_2:
0x98: {  	_ =	swait.ge [sflag:s12], $0x7000  }
0x99: {  	p0 =	seq.s32 s16, $0x0;
	[sflag:s12] =	ssyncset.done $0x0  }
0x9a: {  	s17 =	simm.s32 @!p0 $0x3;
	[sflag:s12] =	ssyncadd.s32 $0xFFFF9000  }
0x9b: {  	s18 =	simm.s32 $0x0;
	_ =	swait.ge @!p0 [sflag:s17], $0x7000  }
0x9c: {  	s19 =	sand.u32 $0x7000, s18;
	s18 =	sand.u32 $0x380, s18;
	[sflag:s17] =	ssyncset.done @!p0 $0x0  }
0x9d: {  	s19 =	sor.u32 s18, s19;
	[sflag:s17] =	ssyncadd.s32 @!p0 $0xFFFF9000  }
0x9e: {  	v3 =	vld [tilespmem:s19+$0x4C70]  }
0x9f: {  	v4 =	vld [tilespmem:s19+$0x4000]  }
0xa0: {  	v5 =	vld [tilespmem:s19+$0x4010]  }
0xa1: {  	v6 =	vld [tilespmem:s19+$0x4020]  }
0xa2: {  	v7 =	vld [tilespmem:s19+$0x4030]  }
0xa3: {  	v8 =	vld [tilespmem:s19+$0x4040];
	v3 =	vmul.f32 $2.262741660e+01, v3  }
0xa4: {  	v9 =	vld [tilespmem:s19+$0x4050];
	v4 =	vmul.f32 $2.262741660e+01, v4  }
0xa5: {  	v10 =	vld [tilespmem:s19+$0x4060];
	[tilespmem:s19+$0x12C70] =	vst v3;
	v3 =	vmul.f32 $2.262741660e+01, v5  }
0xa6: {  	[tilespmem:s19+$0x12000] =	vst v4;
	v4 =	vld [tilespmem:s19+$0x4070];
	v5 =	vmul.f32 $2.262741660e+01, v6  }
0xa7: {  	v6 =	vmul.f32 $2.262741660e+01, v7;
	[tilespmem:s19+$0x12010] =	vst v3;
	v3 =	vld [tilespmem:s19+$0x4400]  }
0xa8: {  	v7 =	vmul.f32 $2.262741660e+01, v8;
	[tilespmem:s19+$0x12020] =	vst v5;
	v5 =	vld [tilespmem:s19+$0x4410]  }
0xa9: {  	v8 =	vmul.f32 $2.262741660e+01, v9;
	[tilespmem:s19+$0x12030] =	vst v6;
	v6 =	vld [tilespmem:s19+$0x4420]  }
0xaa: {  	v9 =	vmul.f32 $2.262741660e+01, v10;
	[tilespmem:s19+$0x12040] =	vst v7;
	v7 =	vld [tilespmem:s19+$0x4430]  }
0xab: {  	[tilespmem:s19+$0x12050] =	vst v8;
	v8 =	vld [tilespmem:s19+$0x4440];
	v4 =	vmul.f32 $2.262741660e+01, v4  }
0xac: {  	[tilespmem:s19+$0x12060] =	vst v9;
	v9 =	vld [tilespmem:s19+$0x4450];
	v3 =	vmul.f32 $2.262741660e+01, v3  }
0xad: {  	[tilespmem:s19+$0x12070] =	vst v4;
	v4 =	vld [tilespmem:s19+$0x4460];
	v5 =	vmul.f32 $2.262741660e+01, v5  }
0xae: {  	v6 =	vmul.f32 $2.262741660e+01, v6;
	[tilespmem:s19+$0x12400] =	vst v3;
	v3 =	vld [tilespmem:s19+$0x4470]  }
0xaf: {  	v7 =	vmul.f32 $2.262741660e+01, v7;
	[tilespmem:s19+$0x12410] =	vst v5;
	v5 =	vld [tilespmem:s19+$0x4800]  }
0xb0: {  	v8 =	vmul.f32 $2.262741660e+01, v8;
	[tilespmem:s19+$0x12420] =	vst v6;
	v6 =	vld [tilespmem:s19+$0x4810]  }
0xb1: {  	v9 =	vmul.f32 $2.262741660e+01, v9;
	[tilespmem:s19+$0x12430] =	vst v7;
	v7 =	vld [tilespmem:s19+$0x4820]  }
0xb2: {  	[tilespmem:s19+$0x12440] =	vst v8;
	v8 =	vld [tilespmem:s19+$0x4830];
	v4 =	vmul.f32 $2.262741660e+01, v4  }
0xb3: {  	[tilespmem:s19+$0x12450] =	vst v9;
	v9 =	vld [tilespmem:s19+$0x4840];
	v3 =	vmul.f32 $2.262741660e+01, v3  }
0xb4: {  	[tilespmem:s19+$0x12460] =	vst v4;
	v4 =	vld [tilespmem:s19+$0x4850];
	v5 =	vmul.f32 $2.262741660e+01, v5  }
0xb5: {  	v6 =	vmul.f32 $2.262741660e+01, v6;
	[tilespmem:s19+$0x12470] =	vst v3;
	v3 =	vld [tilespmem:s19+$0x4860]  }
0xb6: {  	v7 =	vmul.f32 $2.262741660e+01, v7;
	[tilespmem:s19+$0x12800] =	vst v5;
	v5 =	vld [tilespmem:s19+$0x4870]  }
0xb7: {  	v10 =	vld [tilespmem:s19+$0x4C60];
	v8 =	vmul.f32 $2.262741660e+01, v8;
	[tilespmem:s19+$0x12810] =	vst v6  }
0xb8: {  	v9 =	vmul.f32 $2.262741660e+01, v9;
	v6 =	vld [tilespmem:s19+$0x4C00];
	[tilespmem:s19+$0x12820] =	vst v7  }
0xb9: {  	v7 =	vld [tilespmem:s19+$0x4C10];
	[tilespmem:s19+$0x12830] =	vst v8;
	v4 =	vmul.f32 $2.262741660e+01, v4  }
0xba: {  	v8 =	vld [tilespmem:s19+$0x4C20];
	[tilespmem:s19+$0x12840] =	vst v9;
	v3 =	vmul.f32 $2.262741660e+01, v3  }
0xbb: {  	s22 =	simm.s32 $0x200;
	s23 =	simm.s32 $0x80;
	v9 =	vld [tilespmem:s19+$0x4C30];
	[tilespmem:s19+$0x12850] =	vst v4;
	v5 =	vmul.f32 $2.262741660e+01, v5  }
0xbc: {  	s18 =	sand.u32 $0x380, s23;
	s17 =	sand.u32 $0x7000, s22;
	v4 =	vld [tilespmem:s19+$0x4C40];
	[tilespmem:s19+$0x12860] =	vst v3  }
0xbd: {  	s18 =	sor.u32 s18, s17;
	v3 =	vld [tilespmem:s19+$0x4C50];
	[tilespmem:s19+$0x12870] =	vst v5;
	v5 =	vmul.f32 $2.262741660e+01, v6  }
0xbe: {  	v7 =	vmul.f32 $2.262741660e+01, v7;
	v6 =	vld [tilespmem:s18+$0x4C70]  }
0xbf: {  	v8 =	vmul.f32 $2.262741660e+01, v8;
	v11 =	vld [tilespmem:s18+$0x4000];
	[tilespmem:s19+$0x12C00] =	vst v5  }
0xc0: {  	v9 =	vmul.f32 $2.262741660e+01, v9;
	v5 =	vld [tilespmem:s18+$0x4010];
	[tilespmem:s19+$0x12C10] =	vst v7  }
0xc1: {  	v4 =	vmul.f32 $2.262741660e+01, v4;
	v7 =	vld [tilespmem:s18+$0x4020];
	[tilespmem:s19+$0x12C20] =	vst v8  }
0xc2: {  	v8 =	vld [tilespmem:s18+$0x4030];
	[tilespmem:s19+$0x12C30] =	vst v9;
	v3 =	vmul.f32 $2.262741660e+01, v3  }
0xc3: {  	v9 =	vld [tilespmem:s18+$0x4040];
	[tilespmem:s19+$0x12C40] =	vst v4;
	v6 =	vmul.f32 $2.262741660e+01, v6  }
0xc4: {  	v4 =	vld [tilespmem:s18+$0x4050];
	[tilespmem:s19+$0x12C50] =	vst v3;
	v3 =	vmul.f32 $2.262741660e+01, v11  }
0xc5: {  	v11 =	vld [tilespmem:s18+$0x4060];
	[tilespmem:s18+$0x12C70] =	vst v6;
	v5 =	vmul.f32 $2.262741660e+01, v5  }
0xc6: {  	[tilespmem:s18+$0x12000] =	vst v3;
	v3 =	vld [tilespmem:s18+$0x4070];
	v6 =	vmul.f32 $2.262741660e+01, v7  }
0xc7: {  	[tilespmem:s18+$0x12010] =	vst v5;
	v5 =	vld [tilespmem:s18+$0x4400];
	v7 =	vmul.f32 $2.262741660e+01, v8  }
0xc8: {  	[tilespmem:s18+$0x12020] =	vst v6;
	v6 =	vld [tilespmem:s18+$0x4410];
	v8 =	vmul.f32 $2.262741660e+01, v9  }
0xc9: {  	[tilespmem:s18+$0x12030] =	vst v7;
	v7 =	vld [tilespmem:s18+$0x4420];
	v4 =	vmul.f32 $2.262741660e+01, v4  }
0xca: {  	[tilespmem:s18+$0x12040] =	vst v8;
	v8 =	vld [tilespmem:s18+$0x4430];
	v9 =	vmul.f32 $2.262741660e+01, v11  }
0xcb: {  	[tilespmem:s18+$0x12050] =	vst v4;
	v4 =	vld [tilespmem:s18+$0x4440];
	v3 =	vmul.f32 $2.262741660e+01, v3  }
0xcc: {  	[tilespmem:s18+$0x12060] =	vst v9;
	v9 =	vld [tilespmem:s18+$0x4450];
	v5 =	vmul.f32 $2.262741660e+01, v5  }
0xcd: {  	[tilespmem:s18+$0x12070] =	vst v3;
	v3 =	vld [tilespmem:s18+$0x4460];
	v6 =	vmul.f32 $2.262741660e+01, v6  }
0xce: {  	[tilespmem:s18+$0x12400] =	vst v5;
	v5 =	vld [tilespmem:s18+$0x4470];
	v7 =	vmul.f32 $2.262741660e+01, v7  }
0xcf: {  	[tilespmem:s18+$0x12410] =	vst v6;
	v6 =	vld [tilespmem:s18+$0x4800];
	v8 =	vmul.f32 $2.262741660e+01, v8  }
0xd0: {  	[tilespmem:s18+$0x12420] =	vst v7;
	v7 =	vld [tilespmem:s18+$0x4810];
	v4 =	vmul.f32 $2.262741660e+01, v4  }
0xd1: {  	[tilespmem:s18+$0x12430] =	vst v8;
	v8 =	vld [tilespmem:s18+$0x4820];
	v9 =	vmul.f32 $2.262741660e+01, v9  }
0xd2: {  	v11 =	vld [tilespmem:s18+$0x4830];
	[tilespmem:s18+$0x12440] =	vst v4;
	v3 =	vmul.f32 $2.262741660e+01, v3  }
0xd3: {  	[tilespmem:s18+$0x12450] =	vst v9;
	v9 =	vld [tilespmem:s18+$0x4840];
	v4 =	vmul.f32 $2.262741660e+01, v5  }
0xd4: {  	[tilespmem:s18+$0x12460] =	vst v3;
	v3 =	vld [tilespmem:s18+$0x4850];
	v5 =	vmul.f32 $2.262741660e+01, v6  }
0xd5: {  	v6 =	vld [tilespmem:s18+$0x4860];
	[tilespmem:s18+$0x12470] =	vst v4;
	v4 =	vmul.f32 $2.262741660e+01, v7  }
0xd6: {  	v12 =	vld [tilespmem:s18+$0x4870];
	[tilespmem:s18+$0x12800] =	vst v5;
	v5 =	vmul.f32 $2.262741660e+01, v8  }
0xd7: {  	v7 =	vld [tilespmem:s18+$0x4C10];
	v8 =	vmul.f32 $2.262741660e+01, v11;
	[tilespmem:s18+$0x12810] =	vst v4  }
0xd8: {  	v4 =	vld [tilespmem:s18+$0x4C00];
	[tilespmem:s18+$0x12820] =	vst v5;
	v5 =	vmul.f32 $2.262741660e+01, v9  }
0xd9: {  	[tilespmem:s18+$0x12830] =	vst v8;
	v8 =	vld [tilespmem:s18+$0x4C20];
	v3 =	vmul.f32 $2.262741660e+01, v3  }
0xda: {  	s20 =	simm.s32 $0x100;
	v9 =	vmul.f32 $2.262741660e+01, v6;
	[tilespmem:s18+$0x12840] =	vst v5;
	v5 =	vld [tilespmem:s18+$0x4C30]  }
0xdb: {  	s21 =	simm.s32 $0x400;
	s23 =	sand.u32 $0x380, s20;
	v6 =	vld [tilespmem:s18+$0x4C40];
	[tilespmem:s18+$0x12850] =	vst v3;
	v3 =	vmul.f32 $2.262741660e+01, v10;
	v10 =	vmul.f32 $2.262741660e+01, v12  }
0xdc: {  	s22 =	sand.u32 $0x7000, s21;
	s21 =	simm.s32 $0x600;
	s17 =	sshll.u32 s16, $0x1;
	[tilespmem:s18+$0x12860] =	vst v9;
	v9 =	vld [tilespmem:s18+$0x4C50]  }
.LBB2_3:
0xdd: {  	p1 =	sne.s32 s21, $0x6200;
	s22 =	sor.u32 s23, s22;
	[tilespmem:s18+$0x12870] =	vst v10;
	v4 =	vmul.f32 $2.262741660e+01, v4;
	v7 =	vmul.f32 $2.262741660e+01, v7;
	v10 =	vld [tilespmem:s18+$0x4C60]  }
0xde: {  	v11 =	vld [tilespmem:s22+$0x4C70];
	v8 =	vmul.f32 $2.262741660e+01, v8;
	[tilespmem:s19+$0x12C60] =	vst v3;
	s19 =	smov.u32 s18;
	s18 =	smov.u32 s22  }
0xdf: {  	v12 =	vld [tilespmem:s18+$0x4000];
	[tilespmem:s19+$0x12C00] =	vst v4;
	v3 =	vmul.f32 $2.262741660e+01, v5  }
0xe0: {  	v4 =	vld [tilespmem:s18+$0x4010];
	[tilespmem:s19+$0x12C10] =	vst v7;
	v5 =	vmul.f32 $2.262741660e+01, v6  }
0xe1: {  	v6 =	vld [tilespmem:s18+$0x4020];
	[tilespmem:s19+$0x12C20] =	vst v8;
	v7 =	vmul.f32 $2.262741660e+01, v9  }
0xe2: {  	v8 =	vld [tilespmem:s18+$0x4030];
	[tilespmem:s19+$0x12C30] =	vst v3;
	v3 =	vmul.f32 $2.262741660e+01, v10  }
0xe3: {  	v9 =	vld [tilespmem:s18+$0x4040];
	v10 =	vmul.f32 $2.262741660e+01, v11;
	[tilespmem:s19+$0x12C40] =	vst v5  }
0xe4: {  	v5 =	vmul.f32 $2.262741660e+01, v12;
	v11 =	vld [tilespmem:s18+$0x4050];
	[tilespmem:s19+$0x12C50] =	vst v7  }
0xe5: {  	v4 =	vmul.f32 $2.262741660e+01, v4;
	v7 =	vld [tilespmem:s18+$0x4060];
	[tilespmem:s18+$0x12C70] =	vst v10  }
0xe6: {  	[tilespmem:s18+$0x12000] =	vst v5;
	v5 =	vmul.f32 $2.262741660e+01, v6;
	v6 =	vld [tilespmem:s18+$0x4070]  }
0xe7: {  	[tilespmem:s18+$0x12010] =	vst v4;
	v4 =	vmul.f32 $2.262741660e+01, v8;
	v8 =	vld [tilespmem:s18+$0x4400]  }
0xe8: {  	[tilespmem:s18+$0x12020] =	vst v5;
	v5 =	vmul.f32 $2.262741660e+01, v9;
	v9 =	vld [tilespmem:s18+$0x4410]  }
0xe9: {  	[tilespmem:s18+$0x12030] =	vst v4;
	v4 =	vmul.f32 $2.262741660e+01, v11;
	v10 =	vld [tilespmem:s18+$0x4420]  }
0xea: {  	[tilespmem:s18+$0x12040] =	vst v5;
	v5 =	vmul.f32 $2.262741660e+01, v7;
	v7 =	vld [tilespmem:s18+$0x4430]  }
0xeb: {  	[tilespmem:s18+$0x12050] =	vst v4;
	v4 =	vmul.f32 $2.262741660e+01, v6;
	v6 =	vld [tilespmem:s18+$0x4440]  }
0xec: {  	[tilespmem:s18+$0x12060] =	vst v5;
	v5 =	vmul.f32 $2.262741660e+01, v8;
	v8 =	vld [tilespmem:s18+$0x4450]  }
0xed: {  	[tilespmem:s18+$0x12070] =	vst v4;
	v4 =	vmul.f32 $2.262741660e+01, v9;
	v9 =	vld [tilespmem:s18+$0x4460]  }
0xee: {  	[tilespmem:s18+$0x12400] =	vst v5;
	v5 =	vmul.f32 $2.262741660e+01, v10;
	v10 =	vld [tilespmem:s18+$0x4470]  }
0xef: {  	[tilespmem:s18+$0x12410] =	vst v4;
	v4 =	vmul.f32 $2.262741660e+01, v7;
	v7 =	vld [tilespmem:s18+$0x4800]  }
0xf0: {  	[tilespmem:s18+$0x12420] =	vst v5;
	v5 =	vmul.f32 $2.262741660e+01, v6;
	v6 =	vld [tilespmem:s18+$0x4810]  }
0xf1: {  	[tilespmem:s18+$0x12430] =	vst v4;
	v4 =	vmul.f32 $2.262741660e+01, v8;
	v8 =	vld [tilespmem:s18+$0x4820]  }
0xf2: {  	[tilespmem:s18+$0x12440] =	vst v5;
	v5 =	vmul.f32 $2.262741660e+01, v9;
	v9 =	vld [tilespmem:s18+$0x4830]  }
0xf3: {  	[tilespmem:s18+$0x12450] =	vst v4;
	v4 =	vmul.f32 $2.262741660e+01, v10;
	v10 =	vld [tilespmem:s18+$0x4840]  }
0xf4: {  	[tilespmem:s18+$0x12460] =	vst v5;
	v5 =	vmul.f32 $2.262741660e+01, v7;
	v11 =	vld [tilespmem:s18+$0x4850]  }
0xf5: {  	[tilespmem:s18+$0x12470] =	vst v4;
	v4 =	vmul.f32 $2.262741660e+01, v6;
	v6 =	vld [tilespmem:s18+$0x4860]  }
0xf6: {  	[tilespmem:s18+$0x12800] =	vst v5;
	v5 =	vmul.f32 $2.262741660e+01, v8;
	v12 =	vld [tilespmem:s18+$0x4870]  }
0xf7: {  	[tilespmem:s18+$0x12810] =	vst v4;
	v8 =	vmul.f32 $2.262741660e+01, v9;
	v4 =	vld [tilespmem:s18+$0x4C00]  }
.Ltmp4:
0xf8: {  	[tilespmem:s18+$0x12820] =	vst v5;
	v5 =	vmul.f32 $2.262741660e+01, v10;
	v7 =	vld [tilespmem:s18+$0x4C10];
	(pc) =	sbr.rel @p1 .LBB2_3-.Ltmp4, $4  }
0xf9: {  	[tilespmem:s18+$0x12830] =	vst v8;
	v9 =	vmul.f32 $2.262741660e+01, v11;
	v8 =	vld [tilespmem:s18+$0x4C20]  }
0xfa: {  	[tilespmem:s18+$0x12840] =	vst v5;
	v11 =	vmul.f32 $2.262741660e+01, v6;
	v5 =	vld [tilespmem:s18+$0x4C30]  }
0xfb: {  	s20 =	sadd.s32 $0x80, s20;
	[tilespmem:s18+$0x12850] =	vst v9;
	v10 =	vmul.f32 $2.262741660e+01, v12;
	v6 =	vld [tilespmem:s18+$0x4C40]  }
0xfc: {  	s22 =	sand.u32 $0x7000, s21;
	s23 =	sand.u32 $0x380, s20;
	s21 =	sadd.s32 $0x200, s21;
	[tilespmem:s18+$0x12860] =	vst v11;
	v9 =	vld [tilespmem:s18+$0x4C50]  }
0xfd: {  	[tilespmem:s18+$0x12870] =	vst v10;
	s20 =	sor.u32 s23, s22;
	v22 =	vld [tilespmem:s18+$0x4C60];
	v4 =	vmul.f32 $2.262741660e+01, v4  }
0xfe: {  	v7 =	vmul.f32 $2.262741660e+01, v7;
	v11 =	vld [tilespmem:s20+$0x4C70];
	[tilespmem:s19+$0x12C60] =	vst v3  }
0xff: {  	v8 =	vmul.f32 $2.262741660e+01, v8;
	v3 =	vld [tilespmem:s20+$0x4000];
	[tilespmem:s18+$0x12C00] =	vst v4  }
0x100: {  	v5 =	vmul.f32 $2.262741660e+01, v5;
	v4 =	vld [tilespmem:s20+$0x4010];
	[tilespmem:s18+$0x12C10] =	vst v7  }
0x101: {  	v6 =	vmul.f32 $2.262741660e+01, v6;
	v7 =	vld [tilespmem:s20+$0x4020];
	[tilespmem:s18+$0x12C20] =	vst v8  }
0x102: {  	v9 =	vmul.f32 $2.262741660e+01, v9;
	v8 =	vld [tilespmem:s20+$0x4030];
	[tilespmem:s18+$0x12C30] =	vst v5  }
0x103: {  	v5 =	vld [tilespmem:s20+$0x4040];
	[tilespmem:s18+$0x12C40] =	vst v6;
	v23 =	vmul.f32 $2.262741660e+01, v11  }
0x104: {  	v24 =	vld [tilespmem:s20+$0x4050];
	v3 =	vmul.f32 $2.262741660e+01, v3;
	[tilespmem:s18+$0x12C50] =	vst v9  }
0x105: {  	v4 =	vmul.f32 $2.262741660e+01, v4;
	v9 =	vld [tilespmem:s20+$0x4060];
	[tilespmem:s20+$0x12C70] =	vst v23  }
0x106: {  	v25 =	vld [tilespmem:s20+$0x4070];
	[tilespmem:s20+$0x12000] =	vst v3;
	v3 =	vmul.f32 $2.262741660e+01, v7  }
0x107: {  	v28 =	vld [tilespmem:s20+$0x4410];
	[tilespmem:s20+$0x12010] =	vst v4;
	v26 =	vmul.f32 $2.262741660e+01, v8  }
0x108: {  	v31 =	vld [tilespmem:s20+$0x4430];
	[tilespmem:s20+$0x12020] =	vst v3;
	v3 =	vmul.f32 $2.262741660e+01, v5  }
0x109: {  	v27 =	vld [tilespmem:s20+$0x4400];
	[tilespmem:s20+$0x12030] =	vst v26;
	v29 =	vmul.f32 $2.262741660e+01, v24  }
0x10a: {  	v34 =	vld [tilespmem:s20+$0x4450];
	[tilespmem:s20+$0x12040] =	vst v3;
	v3 =	vmul.f32 $2.262741660e+01, v9  }
0x10b: {  	v30 =	vld [tilespmem:s20+$0x4420];
	v32 =	vmul.f32 $2.262741660e+01, v25;
	[tilespmem:s20+$0x12050] =	vst v29  }
0x10c: {  	v37 =	vld [tilespmem:s20+$0x4470];
	v35 =	vmul.f32 $2.262741660e+01, v28;
	[tilespmem:s20+$0x12060] =	vst v3  }
0x10d: {  	v33 =	vld [tilespmem:s20+$0x4440];
	v38 =	vmul.f32 $2.262741660e+01, v31;
	[tilespmem:s20+$0x12070] =	vst v32  }
0x10e: {  	v40 =	vld [tilespmem:s20+$0x4810];
	v3 =	vmul.f32 $2.262741660e+01, v27;
	[tilespmem:s20+$0x12410] =	vst v35  }
0x10f: {  	v36 =	vld [tilespmem:s20+$0x4460];
	v41 =	vmul.f32 $2.262741660e+01, v34;
	[tilespmem:s20+$0x12430] =	vst v38  }
0x110: {  	v43 =	vld [tilespmem:s20+$0x4830];
	[tilespmem:s20+$0x12400] =	vst v3;
	v3 =	vmul.f32 $2.262741660e+01, v30  }
0x111: {  	v39 =	vld [tilespmem:s20+$0x4800];
	v44 =	vmul.f32 $2.262741660e+01, v37;
	[tilespmem:s20+$0x12450] =	vst v41  }
0x112: {  	v46 =	vld [tilespmem:s20+$0x4850];
	[tilespmem:s20+$0x12420] =	vst v3;
	v3 =	vmul.f32 $2.262741660e+01, v33  }
0x113: {  	v42 =	vld [tilespmem:s20+$0x4820];
	v47 =	vmul.f32 $2.262741660e+01, v40;
	[tilespmem:s20+$0x12470] =	vst v44  }
0x114: {  	v49 =	vld [tilespmem:s20+$0x4870];
	[tilespmem:s20+$0x12440] =	vst v3;
	v3 =	vmul.f32 $2.262741660e+01, v36  }
0x115: {  	v45 =	vld [tilespmem:s20+$0x4840];
	v50 =	vmul.f32 $2.262741660e+01, v43;
	[tilespmem:s20+$0x12810] =	vst v47  }
0x116: {  	v51 =	vld [tilespmem:s20+$0x4C00];
	[tilespmem:s20+$0x12460] =	vst v3;
	v3 =	vmul.f32 $2.262741660e+01, v39  }
0x117: {  	v48 =	vld [tilespmem:s20+$0x4860];
	v53 =	vmul.f32 $2.262741660e+01, v46;
	[tilespmem:s20+$0x12830] =	vst v50  }
0x118: {  	v52 =	vld [tilespmem:s20+$0x4C10];
	[tilespmem:s20+$0x12800] =	vst v3;
	v3 =	vmul.f32 $2.262741660e+01, v42  }
0x119: {  	v54 =	vld [tilespmem:s20+$0x4C20];
	v56 =	vmul.f32 $2.262741660e+01, v49;
	[tilespmem:s20+$0x12850] =	vst v53  }
0x11a: {  	[tilespmem:s20+$0x12820] =	vst v3;
	v3 =	vmul.f32 $2.262741660e+01, v45  }
0x11b: {  	v55 =	vld [tilespmem:s20+$0x4C30];
	v58 =	vmul.f32 $2.262741660e+01, v51;
	[tilespmem:s20+$0x12870] =	vst v56  }
0x11c: {  	v57 =	vld [tilespmem:s20+$0x4C40];
	[tilespmem:s20+$0x12840] =	vst v3;
	v3 =	vmul.f32 $2.262741660e+01, v48  }
0x11d: {  	v59 =	vld [tilespmem:s20+$0x4C60];
	v8 =	vmul.f32 $2.262741660e+01, v52;
	[tilespmem:s20+$0x12C00] =	vst v58  }
0x11e: {  	v9 =	vmul.f32 $2.262741660e+01, v54;
	[tilespmem:s20+$0x12860] =	vst v3;
	v3 =	vld [tilespmem:s20+$0x4C50]  }
0x11f: {  	v10 =	vmul.f32 $2.262741660e+01, v22;
	[tilespmem:s20+$0x12C10] =	vst v8  }
0x120: {  	p1 =	seq.s32 s16, $0x3F;
	v60 =	vmul.f32 $2.262741660e+01, v55;
	[tilespmem:s20+$0x12C20] =	vst v9  }
.Ltmp5:
0x121: {  	v61 =	vmul.f32 $2.262741660e+01, v57;
	[tilespmem:s18+$0x12C60] =	vst v10;
	(pc) =	sbr.rel @p1 .LBB2_6-.Ltmp5, $4  }
0x122: {  	v62 =	vmul.f32 $2.262741660e+01, v59;
	[tilespmem:s20+$0x12C30] =	vst v60  }
0x123: {  	[tilespmem:s20+$0x12C40] =	vst v61;
	v3 =	vmul.f32 $2.262741660e+01, v3  }
0x124: {  	[tilespmem:s20+$0x12C60] =	vst v62  }
0x125: {  	[tilespmem:s20+$0x12C50] =	vst v3  }
0x126: {  	s18 =	sshll.u32 s16, $0x8  }
0x127: {  	s18 =	sand.u32 $0x3FFFFF00, s18  }
0x128: {  	v3 =	vld [tilespmem:s18+$0x100];
	_ =	sdelay $0x4  }
0x129: {  	v4 =	vshll.u32 v3, $0x2  }
0x12a: {  	v3 =	vand.u32 $0x7, v3;
	v4 =	vand.u32 $0xFFFFFFE0, v4  }
0x12b: {  	v3 =	vor.u32 v3, v4  }
0x12c: {  	v4 =	vperm.xlane v3, v0;
	_ =	sdelay $0x1  }
0x12d: {  	v4 =	vadd.s32 v1, v4;
	_ =	sdelay $0x1  }
0x12e: {  	v3 =	vperm.xlane v3, v2;
	_ =	sdelay $0x1  }
0x12f: {  	s19 =	simm.s32 $0x4000;
	v3 =	vadd.s32 v1, v3  }
0x130: {  	[tilespmem:s19], [sflag:$0x1] =	stream.indirect_vreg.gather [hbm4b:s2+s3], $0x80, v4, vm0, $0xb8;
	v63 =	vld [tilespmem:$0x0]  }
0x131: {  	s23 =	simm.s32 $0x4800  }
0x132: {  	[tilespmem:s23], [sflag:$0x1] =	stream.indirect_vreg.gather [hbm4b:s7+s3], $0x80, v4, vm0, $0xb8;
	v63 =	vld [tilespmem:$0x0]  }
0x133: {  	s20 =	simm.s32 $0x5000  }
0x134: {  	[tilespmem:s20], [sflag:$0x1] =	stream.indirect_vreg.gather [hbm4b:s2+s3], $0x80, v3, vm0, $0xb8;
	v63 =	vld [tilespmem:$0x0]  }
0x135: {  	s21 =	simm.s32 $0x5800  }
0x136: {  	[tilespmem:s21], [sflag:$0x1] =	stream.indirect_vreg.gather [hbm4b:s7+s3], $0x80, v3, vm0, $0xb8;
	v63 =	vld [tilespmem:$0x0]  }
0x137: {  	v3 =	vld [tilespmem:s18+$0x110];
	_ =	sdelay $0x4  }
0x138: {  	v60 =	vshll.u32 v3, $0x2  }
0x139: {  	v3 =	vand.u32 $0x7, v3;
	v4 =	vand.u32 $0xFFFFFFE0, v60  }
0x13a: {  	v3 =	vor.u32 v3, v4  }
0x13b: {  	v4 =	vperm.xlane v3, v0;
	_ =	sdelay $0x1  }
0x13c: {  	v4 =	vadd.s32 v1, v4;
	_ =	sdelay $0x1  }
0x13d: {  	v3 =	vperm.xlane v3, v2;
	_ =	sdelay $0x1  }
0x13e: {  	s22 =	simm.s32 $0x6000;
	v3 =	vadd.s32 v1, v3  }
0x13f: {  	[tilespmem:s22], [sflag:$0x1] =	stream.indirect_vreg.gather [hbm4b:s2+s3], $0x80, v4, vm0, $0xb8;
	v63 =	vld [tilespmem:$0x0]  }
0x140: {  	s23 =	simm.s32 $0x6800  }
0x141: {  	[tilespmem:s23], [sflag:$0x1] =	stream.indirect_vreg.gather [hbm4b:s7+s3], $0x80, v4, vm0, $0xb8;
	v63 =	vld [tilespmem:$0x0]  }
0x142: {  	s20 =	simm.s32 $0x7000  }
0x143: {  	[tilespmem:s20], [sflag:$0x1] =	stream.indirect_vreg.gather [hbm4b:s2+s3], $0x80, v3, vm0, $0xb8;
	v63 =	vld [tilespmem:$0x0]  }
0x144: {  	s21 =	simm.s32 $0x7800  }
0x145: {  	[tilespmem:s21], [sflag:$0x1] =	stream.indirect_vreg.gather [hbm4b:s7+s3], $0x80, v3, vm0, $0xb8;
	v63 =	vld [tilespmem:$0x0]  }
0x146: {  	v3 =	vld [tilespmem:s18+$0x120];
	_ =	sdelay $0x4  }
0x147: {  	v61 =	vshll.u32 v3, $0x2  }
0x148: {  	v3 =	vand.u32 $0x7, v3;
	v4 =	vand.u32 $0xFFFFFFE0, v61  }
0x149: {  	v3 =	vor.u32 v3, v4  }
0x14a: {  	v4 =	vperm.xlane v3, v0;
	_ =	sdelay $0x1  }
0x14b: {  	v4 =	vadd.s32 v1, v4;
	_ =	sdelay $0x1  }
0x14c: {  	v3 =	vperm.xlane v3, v2;
	_ =	sdelay $0x1  }
0x14d: {  	s22 =	simm.s32 $0x8000;
	v3 =	vadd.s32 v1, v3  }
0x14e: {  	[tilespmem:s22], [sflag:$0x1] =	stream.indirect_vreg.gather [hbm4b:s2+s3], $0x80, v4, vm0, $0xb8;
	v63 =	vld [tilespmem:$0x0]  }
0x14f: {  	s23 =	simm.s32 $0x8800  }
0x150: {  	[tilespmem:s23], [sflag:$0x1] =	stream.indirect_vreg.gather [hbm4b:s7+s3], $0x80, v4, vm0, $0xb8;
	v63 =	vld [tilespmem:$0x0]  }
0x151: {  	s20 =	simm.s32 $0x9000  }
0x152: {  	[tilespmem:s20], [sflag:$0x1] =	stream.indirect_vreg.gather [hbm4b:s2+s3], $0x80, v3, vm0, $0xb8;
	v63 =	vld [tilespmem:$0x0]  }
0x153: {  	s21 =	simm.s32 $0x9800  }
0x154: {  	[tilespmem:s21], [sflag:$0x1] =	stream.indirect_vreg.gather [hbm4b:s7+s3], $0x80, v3, vm0, $0xb8;
	v63 =	vld [tilespmem:$0x0]  }
0x155: {  	v3 =	vld.msk [tilespmem:s18+$0x130], $0xff;
	_ =	sdelay $0x4  }
0x156: {  	v62 =	vshll.u32 v3, $0x2  }
0x157: {  	v3 =	vand.u32 $0x7, v3;
	v4 =	vand.u32 $0xFFFFFFE0, v62  }
0x158: {  	v3 =	vor.u32 v3, v4  }
0x159: {  	v3 =	vperm.xlane v3, v0;
	_ =	sdelay $0x1  }
0x15a: {  	v3 =	vadd.s32 v1, v3;
	_ =	sdelay $0x3  }
0x15b: {  	s22 =	simm.s32 $0xA000  }
0x15c: {  	[tilespmem:s22], [sflag:$0x1] =	stream.indirect_vreg.gather [hbm4b:s2+s3], $0x80, v3, vm0, $0xb8;
	v63 =	vld [tilespmem:$0x0]  }
0x15d: {  	s23 =	simm.s32 $0xA800  }
0x15e: {  	[tilespmem:s23], [sflag:$0x1] =	stream.indirect_vreg.gather [hbm4b:s7+s3], $0x80, v3, vm0, $0xb8;
	v63 =	vld [tilespmem:$0x0]  }
.LBB2_6:
0x15f: {  	s18 =	sadd.s32 s6, s17  }
0x160: {  	s18 =	smul.u32 $0xE00, s18;
	_ =	sdelay $0x1  }
0x161: {  	s18 =	sadd.s32 s4, s18  }
0x162: {  	[hbm4b:s18+s3] =	stream.linear.scatter [tilespmem:s13], [sflag:$0x3], $0x7000, $0x38;
	v63 =	vld [tilespmem:$0x0]  }
0x163: {  	_ =	swait.ge [sflag:s14], $0x7000  }
0x164: {  	[sflag:s14] =	ssyncset.done $0x0  }
0x165: {  	s18 =	simm.s32 @!p0 $0x4;
	[sflag:s14] =	ssyncadd.s32 $0xFFFF9000  }
0x166: {  	s19 =	simm.s32 $0x0;
	_ =	swait.ge @!p0 [sflag:s18], $0x7000  }
0x167: {  	s20 =	sand.u32 $0x7000, s19;
	s19 =	sand.u32 $0x380, s19;
	[sflag:s18] =	ssyncset.done @!p0 $0x0  }
0x168: {  	s19 =	sor.u32 s19, s20;
	[sflag:s18] =	ssyncadd.s32 @!p0 $0xFFFF9000  }
0x169: {  	v3 =	vld [tilespmem:s19+$0xBC70]  }
0x16a: {  	v4 =	vld [tilespmem:s19+$0xB000]  }
0x16b: {  	v5 =	vld [tilespmem:s19+$0xB010]  }
0x16c: {  	v6 =	vld [tilespmem:s19+$0xB020]  }
0x16d: {  	v7 =	vld [tilespmem:s19+$0xB030]  }
0x16e: {  	v8 =	vld [tilespmem:s19+$0xB040];
	v3 =	vmul.f32 $2.262741660e+01, v3  }
0x16f: {  	v9 =	vld [tilespmem:s19+$0xB050];
	v4 =	vmul.f32 $2.262741660e+01, v4  }
0x170: {  	v10 =	vld [tilespmem:s19+$0xB060];
	[tilespmem:s19+$0x19C70] =	vst v3;
	v3 =	vmul.f32 $2.262741660e+01, v5  }
0x171: {  	[tilespmem:s19+$0x19000] =	vst v4;
	v4 =	vld [tilespmem:s19+$0xB070];
	v5 =	vmul.f32 $2.262741660e+01, v6  }
0x172: {  	v6 =	vmul.f32 $2.262741660e+01, v7;
	[tilespmem:s19+$0x19010] =	vst v3;
	v3 =	vld [tilespmem:s19+$0xB400]  }
0x173: {  	v7 =	vmul.f32 $2.262741660e+01, v8;
	[tilespmem:s19+$0x19020] =	vst v5;
	v5 =	vld [tilespmem:s19+$0xB410]  }
0x174: {  	v8 =	vmul.f32 $2.262741660e+01, v9;
	[tilespmem:s19+$0x19030] =	vst v6;
	v6 =	vld [tilespmem:s19+$0xB420]  }
0x175: {  	v9 =	vmul.f32 $2.262741660e+01, v10;
	[tilespmem:s19+$0x19040] =	vst v7;
	v7 =	vld [tilespmem:s19+$0xB430]  }
0x176: {  	[tilespmem:s19+$0x19050] =	vst v8;
	v8 =	vld [tilespmem:s19+$0xB440];
	v4 =	vmul.f32 $2.262741660e+01, v4  }
0x177: {  	[tilespmem:s19+$0x19060] =	vst v9;
	v9 =	vld [tilespmem:s19+$0xB450];
	v3 =	vmul.f32 $2.262741660e+01, v3  }
0x178: {  	[tilespmem:s19+$0x19070] =	vst v4;
	v4 =	vld [tilespmem:s19+$0xB460];
	v5 =	vmul.f32 $2.262741660e+01, v5  }
0x179: {  	v6 =	vmul.f32 $2.262741660e+01, v6;
	[tilespmem:s19+$0x19400] =	vst v3;
	v3 =	vld [tilespmem:s19+$0xB470]  }
0x17a: {  	v7 =	vmul.f32 $2.262741660e+01, v7;
	[tilespmem:s19+$0x19410] =	vst v5;
	v5 =	vld [tilespmem:s19+$0xB800]  }
0x17b: {  	v8 =	vmul.f32 $2.262741660e+01, v8;
	[tilespmem:s19+$0x19420] =	vst v6;
	v6 =	vld [tilespmem:s19+$0xB810]  }
0x17c: {  	v9 =	vmul.f32 $2.262741660e+01, v9;
	[tilespmem:s19+$0x19430] =	vst v7;
	v7 =	vld [tilespmem:s19+$0xB820]  }
0x17d: {  	[tilespmem:s19+$0x19440] =	vst v8;
	v8 =	vld [tilespmem:s19+$0xB830];
	v4 =	vmul.f32 $2.262741660e+01, v4  }
0x17e: {  	[tilespmem:s19+$0x19450] =	vst v9;
	v9 =	vld [tilespmem:s19+$0xB840];
	v3 =	vmul.f32 $2.262741660e+01, v3  }
0x17f: {  	[tilespmem:s19+$0x19460] =	vst v4;
	v4 =	vld [tilespmem:s19+$0xB850];
	v5 =	vmul.f32 $2.262741660e+01, v5  }
0x180: {  	v6 =	vmul.f32 $2.262741660e+01, v6;
	[tilespmem:s19+$0x19470] =	vst v3;
	v3 =	vld [tilespmem:s19+$0xB860]  }
0x181: {  	v7 =	vmul.f32 $2.262741660e+01, v7;
	[tilespmem:s19+$0x19800] =	vst v5;
	v5 =	vld [tilespmem:s19+$0xB870]  }
0x182: {  	v10 =	vld [tilespmem:s19+$0xBC60];
	v8 =	vmul.f32 $2.262741660e+01, v8;
	[tilespmem:s19+$0x19810] =	vst v6  }
0x183: {  	v9 =	vmul.f32 $2.262741660e+01, v9;
	v6 =	vld [tilespmem:s19+$0xBC00];
	[tilespmem:s19+$0x19820] =	vst v7  }
0x184: {  	v7 =	vld [tilespmem:s19+$0xBC10];
	[tilespmem:s19+$0x19830] =	vst v8;
	v4 =	vmul.f32 $2.262741660e+01, v4  }
0x185: {  	v8 =	vld [tilespmem:s19+$0xBC20];
	[tilespmem:s19+$0x19840] =	vst v9;
	v3 =	vmul.f32 $2.262741660e+01, v3  }
0x186: {  	s22 =	simm.s32 $0x200;
	s23 =	simm.s32 $0x80;
	v9 =	vld [tilespmem:s19+$0xBC30];
	[tilespmem:s19+$0x19850] =	vst v4;
	v5 =	vmul.f32 $2.262741660e+01, v5  }
0x187: {  	s20 =	sand.u32 $0x380, s23;
	s18 =	sand.u32 $0x7000, s22;
	v4 =	vld [tilespmem:s19+$0xBC40];
	[tilespmem:s19+$0x19860] =	vst v3  }
0x188: {  	s18 =	sor.u32 s20, s18;
	v3 =	vld [tilespmem:s19+$0xBC50];
	[tilespmem:s19+$0x19870] =	vst v5;
	v5 =	vmul.f32 $2.262741660e+01, v6  }
0x189: {  	v7 =	vmul.f32 $2.262741660e+01, v7;
	v6 =	vld [tilespmem:s18+$0xBC70]  }
0x18a: {  	v8 =	vmul.f32 $2.262741660e+01, v8;
	v11 =	vld [tilespmem:s18+$0xB000];
	[tilespmem:s19+$0x19C00] =	vst v5  }
0x18b: {  	v9 =	vmul.f32 $2.262741660e+01, v9;
	v5 =	vld [tilespmem:s18+$0xB010];
	[tilespmem:s19+$0x19C10] =	vst v7  }
0x18c: {  	v4 =	vmul.f32 $2.262741660e+01, v4;
	v7 =	vld [tilespmem:s18+$0xB020];
	[tilespmem:s19+$0x19C20] =	vst v8  }
0x18d: {  	v8 =	vld [tilespmem:s18+$0xB030];
	[tilespmem:s19+$0x19C30] =	vst v9;
	v3 =	vmul.f32 $2.262741660e+01, v3  }
0x18e: {  	v9 =	vld [tilespmem:s18+$0xB040];
	[tilespmem:s19+$0x19C40] =	vst v4;
	v6 =	vmul.f32 $2.262741660e+01, v6  }
0x18f: {  	v4 =	vld [tilespmem:s18+$0xB050];
	[tilespmem:s19+$0x19C50] =	vst v3;
	v3 =	vmul.f32 $2.262741660e+01, v11  }
0x190: {  	v11 =	vld [tilespmem:s18+$0xB060];
	[tilespmem:s18+$0x19C70] =	vst v6;
	v5 =	vmul.f32 $2.262741660e+01, v5  }
0x191: {  	[tilespmem:s18+$0x19000] =	vst v3;
	v3 =	vld [tilespmem:s18+$0xB070];
	v6 =	vmul.f32 $2.262741660e+01, v7  }
0x192: {  	[tilespmem:s18+$0x19010] =	vst v5;
	v5 =	vld [tilespmem:s18+$0xB400];
	v7 =	vmul.f32 $2.262741660e+01, v8  }
0x193: {  	[tilespmem:s18+$0x19020] =	vst v6;
	v6 =	vld [tilespmem:s18+$0xB410];
	v8 =	vmul.f32 $2.262741660e+01, v9  }
0x194: {  	[tilespmem:s18+$0x19030] =	vst v7;
	v7 =	vld [tilespmem:s18+$0xB420];
	v4 =	vmul.f32 $2.262741660e+01, v4  }
0x195: {  	[tilespmem:s18+$0x19040] =	vst v8;
	v8 =	vld [tilespmem:s18+$0xB430];
	v9 =	vmul.f32 $2.262741660e+01, v11  }
0x196: {  	[tilespmem:s18+$0x19050] =	vst v4;
	v4 =	vld [tilespmem:s18+$0xB440];
	v3 =	vmul.f32 $2.262741660e+01, v3  }
0x197: {  	[tilespmem:s18+$0x19060] =	vst v9;
	v9 =	vld [tilespmem:s18+$0xB450];
	v5 =	vmul.f32 $2.262741660e+01, v5  }
0x198: {  	[tilespmem:s18+$0x19070] =	vst v3;
	v3 =	vld [tilespmem:s18+$0xB460];
	v6 =	vmul.f32 $2.262741660e+01, v6  }
0x199: {  	[tilespmem:s18+$0x19400] =	vst v5;
	v5 =	vld [tilespmem:s18+$0xB470];
	v7 =	vmul.f32 $2.262741660e+01, v7  }
0x19a: {  	[tilespmem:s18+$0x19410] =	vst v6;
	v6 =	vld [tilespmem:s18+$0xB800];
	v8 =	vmul.f32 $2.262741660e+01, v8  }
0x19b: {  	[tilespmem:s18+$0x19420] =	vst v7;
	v7 =	vld [tilespmem:s18+$0xB810];
	v4 =	vmul.f32 $2.262741660e+01, v4  }
0x19c: {  	[tilespmem:s18+$0x19430] =	vst v8;
	v8 =	vld [tilespmem:s18+$0xB820];
	v9 =	vmul.f32 $2.262741660e+01, v9  }
0x19d: {  	v11 =	vld [tilespmem:s18+$0xB830];
	[tilespmem:s18+$0x19440] =	vst v4;
	v3 =	vmul.f32 $2.262741660e+01, v3  }
0x19e: {  	[tilespmem:s18+$0x19450] =	vst v9;
	v9 =	vld [tilespmem:s18+$0xB840];
	v4 =	vmul.f32 $2.262741660e+01, v5  }
0x19f: {  	[tilespmem:s18+$0x19460] =	vst v3;
	v3 =	vld [tilespmem:s18+$0xB850];
	v5 =	vmul.f32 $2.262741660e+01, v6  }
0x1a0: {  	v6 =	vld [tilespmem:s18+$0xB860];
	[tilespmem:s18+$0x19470] =	vst v4;
	v4 =	vmul.f32 $2.262741660e+01, v7  }
0x1a1: {  	v12 =	vld [tilespmem:s18+$0xB870];
	[tilespmem:s18+$0x19800] =	vst v5;
	v5 =	vmul.f32 $2.262741660e+01, v8  }
0x1a2: {  	v7 =	vld [tilespmem:s18+$0xBC10];
	v8 =	vmul.f32 $2.262741660e+01, v11;
	[tilespmem:s18+$0x19810] =	vst v4  }
0x1a3: {  	v4 =	vld [tilespmem:s18+$0xBC00];
	[tilespmem:s18+$0x19820] =	vst v5;
	v5 =	vmul.f32 $2.262741660e+01, v9  }
0x1a4: {  	[tilespmem:s18+$0x19830] =	vst v8;
	v8 =	vld [tilespmem:s18+$0xBC20];
	v3 =	vmul.f32 $2.262741660e+01, v3  }
0x1a5: {  	v9 =	vmul.f32 $2.262741660e+01, v6;
	[tilespmem:s18+$0x19840] =	vst v5;
	v5 =	vld [tilespmem:s18+$0xBC30]  }
0x1a6: {  	s17 =	sor.u32 $0x1, s17;
	s21 =	simm.s32 $0x400;
	s20 =	simm.s32 $0x100;
	v6 =	vld [tilespmem:s18+$0xBC40];
	[tilespmem:s18+$0x19850] =	vst v3;
	v3 =	vmul.f32 $2.262741660e+01, v10;
	v10 =	vmul.f32 $2.262741660e+01, v12  }
0x1a7: {  	s22 =	sand.u32 $0x7000, s21;
	s21 =	simm.s32 $0x600;
	s23 =	sand.u32 $0x380, s20;
	[tilespmem:s18+$0x19860] =	vst v9;
	v9 =	vld [tilespmem:s18+$0xBC50]  }
.LBB2_7:
0x1a8: {  	p0 =	sne.s32 s21, $0x6200;
	s22 =	sor.u32 s23, s22;
	[tilespmem:s18+$0x19870] =	vst v10;
	v4 =	vmul.f32 $2.262741660e+01, v4;
	v7 =	vmul.f32 $2.262741660e+01, v7;
	v10 =	vld [tilespmem:s18+$0xBC60]  }
0x1a9: {  	v11 =	vld [tilespmem:s22+$0xBC70];
	v8 =	vmul.f32 $2.262741660e+01, v8;
	[tilespmem:s19+$0x19C60] =	vst v3;
	s19 =	smov.u32 s18;
	s18 =	smov.u32 s22  }
0x1aa: {  	v12 =	vld [tilespmem:s18+$0xB000];
	[tilespmem:s19+$0x19C00] =	vst v4;
	v3 =	vmul.f32 $2.262741660e+01, v5  }
0x1ab: {  	v4 =	vld [tilespmem:s18+$0xB010];
	[tilespmem:s19+$0x19C10] =	vst v7;
	v5 =	vmul.f32 $2.262741660e+01, v6  }
0x1ac: {  	v6 =	vld [tilespmem:s18+$0xB020];
	[tilespmem:s19+$0x19C20] =	vst v8;
	v7 =	vmul.f32 $2.262741660e+01, v9  }
0x1ad: {  	v8 =	vld [tilespmem:s18+$0xB030];
	[tilespmem:s19+$0x19C30] =	vst v3;
	v3 =	vmul.f32 $2.262741660e+01, v10  }
0x1ae: {  	v9 =	vld [tilespmem:s18+$0xB040];
	v10 =	vmul.f32 $2.262741660e+01, v11;
	[tilespmem:s19+$0x19C40] =	vst v5  }
0x1af: {  	v5 =	vmul.f32 $2.262741660e+01, v12;
	v11 =	vld [tilespmem:s18+$0xB050];
	[tilespmem:s19+$0x19C50] =	vst v7  }
0x1b0: {  	v4 =	vmul.f32 $2.262741660e+01, v4;
	v7 =	vld [tilespmem:s18+$0xB060];
	[tilespmem:s18+$0x19C70] =	vst v10  }
0x1b1: {  	[tilespmem:s18+$0x19000] =	vst v5;
	v5 =	vmul.f32 $2.262741660e+01, v6;
	v6 =	vld [tilespmem:s18+$0xB070]  }
0x1b2: {  	[tilespmem:s18+$0x19010] =	vst v4;
	v4 =	vmul.f32 $2.262741660e+01, v8;
	v8 =	vld [tilespmem:s18+$0xB400]  }
0x1b3: {  	[tilespmem:s18+$0x19020] =	vst v5;
	v5 =	vmul.f32 $2.262741660e+01, v9;
	v9 =	vld [tilespmem:s18+$0xB410]  }
0x1b4: {  	[tilespmem:s18+$0x19030] =	vst v4;
	v4 =	vmul.f32 $2.262741660e+01, v11;
	v10 =	vld [tilespmem:s18+$0xB420]  }
0x1b5: {  	[tilespmem:s18+$0x19040] =	vst v5;
	v5 =	vmul.f32 $2.262741660e+01, v7;
	v7 =	vld [tilespmem:s18+$0xB430]  }
0x1b6: {  	[tilespmem:s18+$0x19050] =	vst v4;
	v4 =	vmul.f32 $2.262741660e+01, v6;
	v6 =	vld [tilespmem:s18+$0xB440]  }
0x1b7: {  	[tilespmem:s18+$0x19060] =	vst v5;
	v5 =	vmul.f32 $2.262741660e+01, v8;
	v8 =	vld [tilespmem:s18+$0xB450]  }
0x1b8: {  	[tilespmem:s18+$0x19070] =	vst v4;
	v4 =	vmul.f32 $2.262741660e+01, v9;
	v9 =	vld [tilespmem:s18+$0xB460]  }
0x1b9: {  	[tilespmem:s18+$0x19400] =	vst v5;
	v5 =	vmul.f32 $2.262741660e+01, v10;
	v10 =	vld [tilespmem:s18+$0xB470]  }
0x1ba: {  	[tilespmem:s18+$0x19410] =	vst v4;
	v4 =	vmul.f32 $2.262741660e+01, v7;
	v7 =	vld [tilespmem:s18+$0xB800]  }
0x1bb: {  	[tilespmem:s18+$0x19420] =	vst v5;
	v5 =	vmul.f32 $2.262741660e+01, v6;
	v6 =	vld [tilespmem:s18+$0xB810]  }
0x1bc: {  	[tilespmem:s18+$0x19430] =	vst v4;
	v4 =	vmul.f32 $2.262741660e+01, v8;
	v8 =	vld [tilespmem:s18+$0xB820]  }
0x1bd: {  	[tilespmem:s18+$0x19440] =	vst v5;
	v5 =	vmul.f32 $2.262741660e+01, v9;
	v9 =	vld [tilespmem:s18+$0xB830]  }
0x1be: {  	[tilespmem:s18+$0x19450] =	vst v4;
	v4 =	vmul.f32 $2.262741660e+01, v10;
	v10 =	vld [tilespmem:s18+$0xB840]  }
0x1bf: {  	[tilespmem:s18+$0x19460] =	vst v5;
	v5 =	vmul.f32 $2.262741660e+01, v7;
	v11 =	vld [tilespmem:s18+$0xB850]  }
0x1c0: {  	[tilespmem:s18+$0x19470] =	vst v4;
	v4 =	vmul.f32 $2.262741660e+01, v6;
	v6 =	vld [tilespmem:s18+$0xB860]  }
0x1c1: {  	[tilespmem:s18+$0x19800] =	vst v5;
	v5 =	vmul.f32 $2.262741660e+01, v8;
	v12 =	vld [tilespmem:s18+$0xB870]  }
0x1c2: {  	[tilespmem:s18+$0x19810] =	vst v4;
	v8 =	vmul.f32 $2.262741660e+01, v9;
	v4 =	vld [tilespmem:s18+$0xBC00]  }
.Ltmp6:
0x1c3: {  	[tilespmem:s18+$0x19820] =	vst v5;
	v5 =	vmul.f32 $2.262741660e+01, v10;
	v7 =	vld [tilespmem:s18+$0xBC10];
	(pc) =	sbr.rel @p0 .LBB2_7-.Ltmp6, $4  }
0x1c4: {  	[tilespmem:s18+$0x19830] =	vst v8;
	v9 =	vmul.f32 $2.262741660e+01, v11;
	v8 =	vld [tilespmem:s18+$0xBC20]  }
0x1c5: {  	[tilespmem:s18+$0x19840] =	vst v5;
	v11 =	vmul.f32 $2.262741660e+01, v6;
	v5 =	vld [tilespmem:s18+$0xBC30]  }
0x1c6: {  	s20 =	sadd.s32 $0x80, s20;
	[tilespmem:s18+$0x19850] =	vst v9;
	v10 =	vmul.f32 $2.262741660e+01, v12;
	v6 =	vld [tilespmem:s18+$0xBC40]  }
0x1c7: {  	s22 =	sand.u32 $0x7000, s21;
	s23 =	sand.u32 $0x380, s20;
	s21 =	sadd.s32 $0x200, s21;
	[tilespmem:s18+$0x19860] =	vst v11;
	v9 =	vld [tilespmem:s18+$0xBC50]  }
0x1c8: {  	[tilespmem:s18+$0x19870] =	vst v10;
	s20 =	sor.u32 s23, s22;
	v22 =	vld [tilespmem:s18+$0xBC60];
	v4 =	vmul.f32 $2.262741660e+01, v4  }
0x1c9: {  	v7 =	vmul.f32 $2.262741660e+01, v7;
	v11 =	vld [tilespmem:s20+$0xBC70];
	[tilespmem:s19+$0x19C60] =	vst v3  }
0x1ca: {  	v8 =	vmul.f32 $2.262741660e+01, v8;
	v3 =	vld [tilespmem:s20+$0xB000];
	[tilespmem:s18+$0x19C00] =	vst v4  }
0x1cb: {  	v5 =	vmul.f32 $2.262741660e+01, v5;
	v4 =	vld [tilespmem:s20+$0xB010];
	[tilespmem:s18+$0x19C10] =	vst v7  }
0x1cc: {  	v6 =	vmul.f32 $2.262741660e+01, v6;
	v7 =	vld [tilespmem:s20+$0xB020];
	[tilespmem:s18+$0x19C20] =	vst v8  }
0x1cd: {  	v9 =	vmul.f32 $2.262741660e+01, v9;
	v8 =	vld [tilespmem:s20+$0xB030];
	[tilespmem:s18+$0x19C30] =	vst v5  }
0x1ce: {  	v5 =	vld [tilespmem:s20+$0xB040];
	[tilespmem:s18+$0x19C40] =	vst v6;
	v23 =	vmul.f32 $2.262741660e+01, v11  }
0x1cf: {  	v24 =	vld [tilespmem:s20+$0xB050];
	v3 =	vmul.f32 $2.262741660e+01, v3;
	[tilespmem:s18+$0x19C50] =	vst v9  }
0x1d0: {  	v4 =	vmul.f32 $2.262741660e+01, v4;
	v9 =	vld [tilespmem:s20+$0xB060];
	[tilespmem:s20+$0x19C70] =	vst v23  }
0x1d1: {  	v25 =	vld [tilespmem:s20+$0xB070];
	[tilespmem:s20+$0x19000] =	vst v3;
	v3 =	vmul.f32 $2.262741660e+01, v7  }
0x1d2: {  	v28 =	vld [tilespmem:s20+$0xB410];
	[tilespmem:s20+$0x19010] =	vst v4;
	v26 =	vmul.f32 $2.262741660e+01, v8  }
0x1d3: {  	v31 =	vld [tilespmem:s20+$0xB430];
	[tilespmem:s20+$0x19020] =	vst v3;
	v3 =	vmul.f32 $2.262741660e+01, v5  }
0x1d4: {  	v27 =	vld [tilespmem:s20+$0xB400];
	[tilespmem:s20+$0x19030] =	vst v26;
	v29 =	vmul.f32 $2.262741660e+01, v24  }
0x1d5: {  	v34 =	vld [tilespmem:s20+$0xB450];
	[tilespmem:s20+$0x19040] =	vst v3;
	v3 =	vmul.f32 $2.262741660e+01, v9  }
0x1d6: {  	v30 =	vld [tilespmem:s20+$0xB420];
	v32 =	vmul.f32 $2.262741660e+01, v25;
	[tilespmem:s20+$0x19050] =	vst v29  }
0x1d7: {  	v37 =	vld [tilespmem:s20+$0xB470];
	v35 =	vmul.f32 $2.262741660e+01, v28;
	[tilespmem:s20+$0x19060] =	vst v3  }
0x1d8: {  	v33 =	vld [tilespmem:s20+$0xB440];
	v38 =	vmul.f32 $2.262741660e+01, v31;
	[tilespmem:s20+$0x19070] =	vst v32  }
0x1d9: {  	v40 =	vld [tilespmem:s20+$0xB810];
	v3 =	vmul.f32 $2.262741660e+01, v27;
	[tilespmem:s20+$0x19410] =	vst v35  }
0x1da: {  	v36 =	vld [tilespmem:s20+$0xB460];
	v41 =	vmul.f32 $2.262741660e+01, v34;
	[tilespmem:s20+$0x19430] =	vst v38  }
0x1db: {  	v43 =	vld [tilespmem:s20+$0xB830];
	[tilespmem:s20+$0x19400] =	vst v3;
	v3 =	vmul.f32 $2.262741660e+01, v30  }
0x1dc: {  	v39 =	vld [tilespmem:s20+$0xB800];
	v44 =	vmul.f32 $2.262741660e+01, v37;
	[tilespmem:s20+$0x19450] =	vst v41  }
0x1dd: {  	v46 =	vld [tilespmem:s20+$0xB850];
	[tilespmem:s20+$0x19420] =	vst v3;
	v3 =	vmul.f32 $2.262741660e+01, v33  }
0x1de: {  	v42 =	vld [tilespmem:s20+$0xB820];
	v47 =	vmul.f32 $2.262741660e+01, v40;
	[tilespmem:s20+$0x19470] =	vst v44  }
0x1df: {  	v49 =	vld [tilespmem:s20+$0xB870];
	[tilespmem:s20+$0x19440] =	vst v3;
	v3 =	vmul.f32 $2.262741660e+01, v36  }
0x1e0: {  	v45 =	vld [tilespmem:s20+$0xB840];
	v50 =	vmul.f32 $2.262741660e+01, v43;
	[tilespmem:s20+$0x19810] =	vst v47  }
0x1e1: {  	v51 =	vld [tilespmem:s20+$0xBC00];
	[tilespmem:s20+$0x19460] =	vst v3;
	v3 =	vmul.f32 $2.262741660e+01, v39  }
0x1e2: {  	v48 =	vld [tilespmem:s20+$0xB860];
	v53 =	vmul.f32 $2.262741660e+01, v46;
	[tilespmem:s20+$0x19830] =	vst v50  }
0x1e3: {  	v52 =	vld [tilespmem:s20+$0xBC10];
	[tilespmem:s20+$0x19800] =	vst v3;
	v3 =	vmul.f32 $2.262741660e+01, v42  }
0x1e4: {  	v54 =	vld [tilespmem:s20+$0xBC20];
	v56 =	vmul.f32 $2.262741660e+01, v49;
	[tilespmem:s20+$0x19850] =	vst v53  }
0x1e5: {  	[tilespmem:s20+$0x19820] =	vst v3;
	v3 =	vmul.f32 $2.262741660e+01, v45  }
0x1e6: {  	v55 =	vld [tilespmem:s20+$0xBC30];
	v58 =	vmul.f32 $2.262741660e+01, v51;
	[tilespmem:s20+$0x19870] =	vst v56  }
0x1e7: {  	v57 =	vld [tilespmem:s20+$0xBC40];
	[tilespmem:s20+$0x19840] =	vst v3;
	v3 =	vmul.f32 $2.262741660e+01, v48  }
0x1e8: {  	v59 =	vld [tilespmem:s20+$0xBC60];
	v8 =	vmul.f32 $2.262741660e+01, v52;
	[tilespmem:s20+$0x19C00] =	vst v58  }
0x1e9: {  	v9 =	vmul.f32 $2.262741660e+01, v54;
	[tilespmem:s20+$0x19860] =	vst v3;
	v3 =	vld [tilespmem:s20+$0xBC50]  }
0x1ea: {  	v10 =	vmul.f32 $2.262741660e+01, v22;
	[tilespmem:s20+$0x19C10] =	vst v8  }
0x1eb: {  	v60 =	vmul.f32 $2.262741660e+01, v55;
	[tilespmem:s20+$0x19C20] =	vst v9  }
.Ltmp7:
0x1ec: {  	v61 =	vmul.f32 $2.262741660e+01, v57;
	[tilespmem:s18+$0x19C60] =	vst v10;
	(pc) =	sbr.rel @p1 .LBB2_10-.Ltmp7, $4  }
0x1ed: {  	v62 =	vmul.f32 $2.262741660e+01, v59;
	[tilespmem:s20+$0x19C30] =	vst v60  }
0x1ee: {  	[tilespmem:s20+$0x19C40] =	vst v61;
	v3 =	vmul.f32 $2.262741660e+01, v3  }
0x1ef: {  	[tilespmem:s20+$0x19C60] =	vst v62  }
0x1f0: {  	[tilespmem:s20+$0x19C50] =	vst v3  }
0x1f1: {  	s18 =	sshll.u32 s16, $0x8  }
0x1f2: {  	s18 =	sand.u32 $0x3FFFFF00, s18  }
0x1f3: {  	v3 =	vld [tilespmem:s18+$0x180];
	_ =	sdelay $0x4  }
0x1f4: {  	v4 =	vshll.u32 v3, $0x2  }
0x1f5: {  	v3 =	vand.u32 $0x7, v3;
	v4 =	vand.u32 $0xFFFFFFE0, v4  }
0x1f6: {  	v3 =	vor.u32 v3, v4  }
0x1f7: {  	v4 =	vperm.xlane v3, v0;
	_ =	sdelay $0x1  }
0x1f8: {  	v4 =	vadd.s32 v1, v4;
	_ =	sdelay $0x1  }
0x1f9: {  	v3 =	vperm.xlane v3, v2;
	_ =	sdelay $0x1  }
0x1fa: {  	v3 =	vadd.s32 v1, v3  }
0x1fb: {  	[tilespmem:s24], [sflag:$0x2] =	stream.indirect_vreg.gather [hbm4b:s2+s3], $0x80, v4, vm0, $0xb8;
	v63 =	vld [tilespmem:$0x0]  }
0x1fc: {  	_ = 	snop  }
0x1fd: {  	[tilespmem:s25], [sflag:$0x2] =	stream.indirect_vreg.gather [hbm4b:s7+s3], $0x80, v4, vm0, $0xb8;
	v63 =	vld [tilespmem:$0x0]  }
0x1fe: {  	_ = 	snop  }
0x1ff: {  	[tilespmem:s26], [sflag:$0x2] =	stream.indirect_vreg.gather [hbm4b:s2+s3], $0x80, v3, vm0, $0xb8;
	v63 =	vld [tilespmem:$0x0]  }
0x200: {  	_ = 	snop  }
0x201: {  	[tilespmem:s28], [sflag:$0x2] =	stream.indirect_vreg.gather [hbm4b:s7+s3], $0x80, v3, vm0, $0xb8;
	v63 =	vld [tilespmem:$0x0]  }
0x202: {  	v3 =	vld [tilespmem:s18+$0x190];
	_ =	sdelay $0x4  }
0x203: {  	v60 =	vshll.u32 v3, $0x2  }
0x204: {  	v3 =	vand.u32 $0x7, v3;
	v4 =	vand.u32 $0xFFFFFFE0, v60  }
0x205: {  	v3 =	vor.u32 v3, v4  }
0x206: {  	v4 =	vperm.xlane v3, v0;
	_ =	sdelay $0x1  }
0x207: {  	v4 =	vadd.s32 v1, v4;
	_ =	sdelay $0x1  }
0x208: {  	v3 =	vperm.xlane v3, v2;
	_ =	sdelay $0x1  }
0x209: {  	v3 =	vadd.s32 v1, v3  }
0x20a: {  	[tilespmem:s29], [sflag:$0x2] =	stream.indirect_vreg.gather [hbm4b:s2+s3], $0x80, v4, vm0, $0xb8;
	v63 =	vld [tilespmem:$0x0]  }
0x20b: {  	_ = 	snop  }
0x20c: {  	[tilespmem:s30], [sflag:$0x2] =	stream.indirect_vreg.gather [hbm4b:s7+s3], $0x80, v4, vm0, $0xb8;
	v63 =	vld [tilespmem:$0x0]  }
0x20d: {  	_ = 	snop  }
0x20e: {  	[tilespmem:s31], [sflag:$0x2] =	stream.indirect_vreg.gather [hbm4b:s2+s3], $0x80, v3, vm0, $0xb8;
	v63 =	vld [tilespmem:$0x0]  }
0x20f: {  	_ = 	snop  }
0x210: {  	[tilespmem:s0], [sflag:$0x2] =	stream.indirect_vreg.gather [hbm4b:s7+s3], $0x80, v3, vm0, $0xb8;
	v63 =	vld [tilespmem:$0x0]  }
0x211: {  	v3 =	vld [tilespmem:s18+$0x1A0];
	_ =	sdelay $0x4  }
0x212: {  	v61 =	vshll.u32 v3, $0x2  }
0x213: {  	v3 =	vand.u32 $0x7, v3;
	v4 =	vand.u32 $0xFFFFFFE0, v61  }
0x214: {  	v3 =	vor.u32 v3, v4  }
0x215: {  	v4 =	vperm.xlane v3, v0;
	_ =	sdelay $0x1  }
0x216: {  	v4 =	vadd.s32 v1, v4;
	_ =	sdelay $0x1  }
0x217: {  	v3 =	vperm.xlane v3, v2;
	_ =	sdelay $0x1  }
0x218: {  	v3 =	vadd.s32 v1, v3  }
0x219: {  	[tilespmem:s1], [sflag:$0x2] =	stream.indirect_vreg.gather [hbm4b:s2+s3], $0x80, v4, vm0, $0xb8;
	v63 =	vld [tilespmem:$0x0]  }
0x21a: {  	_ = 	snop  }
0x21b: {  	[tilespmem:s5], [sflag:$0x2] =	stream.indirect_vreg.gather [hbm4b:s7+s3], $0x80, v4, vm0, $0xb8;
	v63 =	vld [tilespmem:$0x0]  }
0x21c: {  	_ = 	snop  }
0x21d: {  	[tilespmem:s8], [sflag:$0x2] =	stream.indirect_vreg.gather [hbm4b:s2+s3], $0x80, v3, vm0, $0xb8;
	v63 =	vld [tilespmem:$0x0]  }
0x21e: {  	_ = 	snop  }
0x21f: {  	[tilespmem:s9], [sflag:$0x2] =	stream.indirect_vreg.gather [hbm4b:s7+s3], $0x80, v3, vm0, $0xb8;
	v63 =	vld [tilespmem:$0x0]  }
0x220: {  	v3 =	vld.msk [tilespmem:s18+$0x1B0], $0xff;
	_ =	sdelay $0x4  }
0x221: {  	v62 =	vshll.u32 v3, $0x2  }
0x222: {  	v3 =	vand.u32 $0x7, v3;
	v4 =	vand.u32 $0xFFFFFFE0, v62  }
0x223: {  	v3 =	vor.u32 v3, v4  }
0x224: {  	v3 =	vperm.xlane v3, v0;
	_ =	sdelay $0x1  }
0x225: {  	v3 =	vadd.s32 v1, v3;
	_ =	sdelay $0x2  }
.Ltmp8:
0x226: {  	_ = 	snop;
	(pc) =	sbr.rel .LBB2_10-.Ltmp8, $4  }
0x227: {  	_ = 	snop  }
0x228: {  	[tilespmem:s10], [sflag:$0x2] =	stream.indirect_vreg.gather [hbm4b:s2+s3], $0x80, v3, vm0, $0xb8;
	v63 =	vld [tilespmem:$0x0]  }
0x229: {  	_ = 	snop  }
0x22a: {  	[tilespmem:s11], [sflag:$0x2] =	stream.indirect_vreg.gather [hbm4b:s7+s3], $0x80, v3, vm0, $0xb8;
	v63 =	vld [tilespmem:$0x0]  }
.LBB2_12:
0x22b: {  	_ =	sfence.sel $0x180000  }
0x22c: {  	[bflag:$0x0] =	sbarrier.arrive $0xFFFF  }
0x22d: {  	_ =	strace $0x90000047  }
0x22e: {  	s0 =	stileid.u32;
	[bflag:$0x2] =	sbarrier.arrive $0xFFFF  }
0x22f: {  	p0 =	sne.s32 s0, $0x0;
	s0 =	rddreg [dreg:$0x3]  }
0x230: {  	s0 =	sadd.s32 @!p0 $0x100000, s0  }
0x231: {  	[sflag:s0] =	ssyncadd.tile.s32 @!p0 $0x1;
	_ =	shalt  }
.Lfunc_end2:
_tile_overlayer_lowered:
.L_overlay_start_2:
0x232: {  	(tag) =	ssettag $0x2  }
0x233: {  	s0 =	rddreg [dreg:$0x0];
	s2 =	stileid.u32  }
0x234: {  	s1 =	rddreg [dreg:$0x1];
	p0 =	sne.s32 s2, $0x0  }
0x235: {  	s3 =	rddreg [dreg:$0x2];
	[bflag:$0x3] =	sbarrier.arrive $0xFFFF;
	s2 =	simm.s32 @!p0 $0x1C05  }
0x236: {  	[timem:s3], [sflag:s2] =	dma.local @!p0 [hbm:s0], s1  }
0x237: {  	s0 =	simm.s32 @!p0 $0x5  }
0x238: {  	_ =	swait.ge @!p0 [sflag:s0], s1  }
0x239: {  	s1 =	ssub.s32 @!p0 $0x0, s1;
	[sflag:s0] =	ssyncset.done @!p0 $0x0  }
0x23a: {  	[sflag:s0] =	ssyncadd.s32 @!p0 s1  }
0x23b: {  	[bflag:$0x3] =	sbarrier.arrive $0xFFFF  }
0x23c: {  	_ =	shalt  }

</sc_bundles>
